<compile_context>
chip_gen: v7x
topology: tpu7x:2x2x1
jax: 0.10.2.dev20260603
libtpu: 0.0.44.dev20260713+nightly
codegen_flags: <defaults>
</compile_context>

<pallas_src>
import functools

import jax
import jax.numpy as jnp
from jax import lax
from jax.experimental import pallas as pl
from jax.experimental.pallas import tpu as pltpu
from jax.experimental.pallas import tpu_sc as plsc

N = 10000
E = 320000
D = 128
DE = 16
H = 128

NC = 2
NS = 16
NW = NC * NS
LANES = 16

CB = 128
NCHUNK = E // CB
NPAD = 10240
NPT = NPAD // NS

@functools.cache
def _mesh():
    return plsc.VectorSubcoreMesh(core_axis_name="c", subcore_axis_name="s",
                                  num_cores=NC, num_subcores=NS)


NFULL = NCHUNK // NW
REM = NCHUNK % NW
NH = NFULL // 2


def _vadd_rows_into(out, a, b):
    @plsc.parallel_loop(0, CB)
    def _(r):
        for j in range(D // LANES):
            sl = pl.ds(j * LANES, LANES)
            out[r, sl] = a[r, sl] + b[r, sl]


def _gather_sum_body(xs_hbm, xt_hbm, row_hbm, col_hbm, out_hbm,
                     rowi, coli, a0, b0, a1, b1, g0, g1, tr, tc,
                     sem0, sem1, semw0, semw1):
    cid = lax.axis_index("c")
    sid = lax.axis_index("s")
    wid = cid * NS + sid
    sw = wid * NFULL + jnp.minimum(wid, REM)
    pltpu.sync_copy(row_hbm.at[pl.ds(sw * CB, NFULL * CB)], rowi)
    pltpu.sync_copy(col_hbm.at[pl.ds(sw * CB, NFULL * CB)], coli)

    def fire(i, ba, bb, sem):
        pltpu.async_copy(xs_hbm.at[rowi.at[pl.ds(i * CB, CB)]], ba, sem)
        pltpu.async_copy(xt_hbm.at[coli.at[pl.ds(i * CB, CB)]], bb, sem)

    def drain2(ba, bb, sem):
        pltpu.make_async_copy(xs_hbm.at[tr], ba, sem).wait()
        pltpu.make_async_copy(xs_hbm.at[tr], bb, sem).wait()

    def fire_store(i, gb, semw):
        pltpu.async_copy(gb, out_hbm.at[pl.ds((sw + i) * CB, CB)], semw)

    def drain_store(gb, semw):
        pltpu.make_async_copy(gb, out_hbm.at[pl.ds(sw * CB, CB)], semw).wait()

    fire(0, a0, b0, sem0)

    def step(k, carry):
        i = 2 * k
        fire(i + 1, a1, b1, sem1)
        drain2(a0, b0, sem0)

        @pl.when(k > 0)
        def _():
            drain_store(g0, semw0)

        _vadd_rows_into(g0, a0, b0)
        fire_store(i, g0, semw0)

        @pl.when(k < NH - 1)
        def _():
            fire(i + 2, a0, b0, sem0)

        drain2(a1, b1, sem1)

        @pl.when(k > 0)
        def _():
            drain_store(g1, semw1)

        _vadd_rows_into(g1, a1, b1)
        fire_store(i + 1, g1, semw1)
        return carry

    lax.fori_loop(0, NH, step, 0)
    drain_store(g0, semw0)
    drain_store(g1, semw1)

    @pl.when(wid < REM)
    def _():
        base = (sw + NFULL) * CB
        pltpu.sync_copy(row_hbm.at[pl.ds(base, CB)], tr)
        pltpu.sync_copy(col_hbm.at[pl.ds(base, CB)], tc)
        pltpu.async_copy(xs_hbm.at[tr], a0, sem0)
        pltpu.async_copy(xt_hbm.at[tc], b0, sem0)
        drain2(a0, b0, sem0)
        _vadd_rows_into(g0, a0, b0)
        pltpu.sync_copy(g0, out_hbm.at[pl.ds(base, CB)])


@jax.jit
def _gather_sum(xs, xt, row, col):
    return pl.kernel(
        _gather_sum_body,
        out_type=jax.ShapeDtypeStruct((E, D), jnp.float32),
        mesh=_mesh(),
        scratch_types=[
            pltpu.VMEM((NFULL * CB,), jnp.int32),
            pltpu.VMEM((NFULL * CB,), jnp.int32),
            pltpu.VMEM((CB, D), jnp.float32),
            pltpu.VMEM((CB, D), jnp.float32),
            pltpu.VMEM((CB, D), jnp.float32),
            pltpu.VMEM((CB, D), jnp.float32),
            pltpu.VMEM((CB, D), jnp.float32),
            pltpu.VMEM((CB, D), jnp.float32),
            pltpu.VMEM((CB,), jnp.int32),
            pltpu.VMEM((CB,), jnp.int32),
            pltpu.SemaphoreType.DMA,
            pltpu.SemaphoreType.DMA,
            pltpu.SemaphoreType.DMA,
            pltpu.SemaphoreType.DMA,
        ],
    )(xs, xt, row, col)


SHALF = NCHUNK // NC
SFULL = SHALF // NS
SREM = SHALF % NS
SH2 = SFULL // 2


def _zero_rows(buf):
    @plsc.parallel_loop(0, CB)
    def _(r):
        for j in range(D // LANES):
            buf[r, pl.ds(j * LANES, LANES)] = jnp.zeros((LANES,), jnp.float32)


def _scatter_add_body(ef_hbm, row_hbm, out_hbm, r0, r1, e0, e1, sem0, sem1,
                      agg_sh):
    cid = lax.axis_index("c")
    sid = lax.axis_index("s")
    _zero_rows(e0)
    for k in range(NPT // CB):
        pltpu.sync_copy(e0, agg_sh.at[pl.ds(sid * NPT + k * CB, CB)])
    plsc.subcore_barrier()

    sw = cid * SHALF + sid * SFULL + jnp.minimum(sid, SREM)

    def fire(i, eb, rb, sem):
        base = (sw + i) * CB
        pltpu.async_copy(row_hbm.at[pl.ds(base, CB)], rb, sem)
        pltpu.async_copy(ef_hbm.at[pl.ds(base, CB)], eb, sem)

    def drain(eb, rb, sem):
        pltpu.make_async_copy(row_hbm.at[pl.ds(0, CB)], rb, sem).wait()
        pltpu.make_async_copy(ef_hbm.at[pl.ds(0, CB)], eb, sem).wait()

    def scat(eb, rb):
        pltpu.sync_copy(eb, agg_sh.at[rb], add=True)

    fire(0, e0, r0, sem0)

    def step(k, c):
        i = 2 * k
        fire(i + 1, e1, r1, sem1)
        drain(e0, r0, sem0)
        scat(e0, r0)

        @pl.when(k < SH2 - 1)
        def _():
            fire(i + 2, e0, r0, sem0)

        drain(e1, r1, sem1)
        scat(e1, r1)
        return c

    lax.fori_loop(0, SH2, step, 0)

    @pl.when(sid < SREM)
    def _():
        base = (sw + SFULL) * CB
        pltpu.sync_copy(row_hbm.at[pl.ds(base, CB)], r0)
        pltpu.sync_copy(ef_hbm.at[pl.ds(base, CB)], e0)
        pltpu.sync_copy(e0, agg_sh.at[r0], add=True)

    plsc.subcore_barrier()
    for k in range(NPT // CB):
        pltpu.sync_copy(agg_sh.at[pl.ds(sid * NPT + k * CB, CB)], e0)
        pltpu.sync_copy(e0, out_hbm.at[cid, pl.ds(sid * NPT + k * CB, CB)])


@jax.jit
def _scatter_add(ef, row):
    return pl.kernel(
        _scatter_add_body,
        out_type=jax.ShapeDtypeStruct((NC, NPAD, D), jnp.float32),
        mesh=_mesh(),
        scratch_types=[
            pltpu.VMEM((CB,), jnp.int32),
            pltpu.VMEM((CB,), jnp.int32),
            pltpu.VMEM((CB, D), jnp.float32),
            pltpu.VMEM((CB, D), jnp.float32),
            pltpu.SemaphoreType.DMA,
            pltpu.SemaphoreType.DMA,
            pltpu.VMEM_SHARED((NPAD, D), jnp.float32),
        ],
    )(ef, row)


def _proj_body(x_ref, ws_ref, wt_ref, xs_ref, xt_ref):
    x = x_ref[...]
    xs_ref[...] = jnp.dot(x, ws_ref[...], preferred_element_type=jnp.float32)
    xt_ref[...] = jnp.dot(x, wt_ref[...], preferred_element_type=jnp.float32)


def _proj(x, ws, wt, bn):
    nblk = N // bn
    return pl.pallas_call(
        _proj_body,
        grid=(nblk,),
        in_specs=[
            pl.BlockSpec((bn, D), lambda i: (i, 0)),
            pl.BlockSpec((D, H), lambda i: (0, 0)),
            pl.BlockSpec((D, H), lambda i: (0, 0)),
        ],
        out_specs=[
            pl.BlockSpec((bn, H), lambda i: (i, 0)),
            pl.BlockSpec((bn, H), lambda i: (i, 0)),
        ],
        out_shape=[
            jax.ShapeDtypeStruct((N, H), jnp.float32),
            jax.ShapeDtypeStruct((N, H), jnp.float32),
        ],
    )(x, ws, wt)


def _edge_mlp_body(g_ref, ea_ref, we_ref, be1_ref, w2_ref, be2_ref, out_ref):
    ea1 = jax.lax.dot_general(ea_ref[...], we_ref[...],
                              (((0,), (0,)), ((), ())),
                              preferred_element_type=jnp.float32)
    eh = jnp.maximum(g_ref[...] + ea1 + be1_ref[...], 0.0)
    ef = jnp.dot(eh, w2_ref[...], preferred_element_type=jnp.float32)
    out_ref[...] = jnp.maximum(ef + be2_ref[...], 0.0)


def _edge_mlp(g, ea, we, be1, w2, be2, be):
    nblk = E // be
    return pl.pallas_call(
        _edge_mlp_body,
        grid=(nblk,),
        in_specs=[
            pl.BlockSpec((be, H), lambda i: (i, 0)),
            pl.BlockSpec((DE, be), lambda i: (0, i)),
            pl.BlockSpec((DE, H), lambda i: (0, 0)),
            pl.BlockSpec((1, H), lambda i: (0, 0)),
            pl.BlockSpec((H, H), lambda i: (0, 0)),
            pl.BlockSpec((1, H), lambda i: (0, 0)),
        ],
        out_specs=pl.BlockSpec((be, H), lambda i: (i, 0)),
        out_shape=jax.ShapeDtypeStruct((E, H), jnp.float32),
    )(g, ea, we, be1, w2, be2)


def _node_mlp_body(x_ref, p_ref, w1x_ref, w1a_ref, bn1_ref, w2_ref, bn2_ref,
                   out_ref):
    x = x_ref[...]
    agg = p_ref[0] + p_ref[1]
    nh = jnp.dot(x, w1x_ref[...], preferred_element_type=jnp.float32)
    nh = nh + jnp.dot(agg, w1a_ref[...], preferred_element_type=jnp.float32)
    nh = jnp.maximum(nh + bn1_ref[...], 0.0)
    out_ref[...] = (jnp.dot(nh, w2_ref[...], preferred_element_type=jnp.float32)
                    + bn2_ref[...] + x)


def _node_mlp(x, p, w1x, w1a, bn1, w2, bn2, bn):
    nblk = N // bn
    return pl.pallas_call(
        _node_mlp_body,
        grid=(nblk,),
        in_specs=[
            pl.BlockSpec((bn, D), lambda i: (i, 0)),
            pl.BlockSpec((NC, bn, H), lambda i: (0, i, 0)),
            pl.BlockSpec((D, H), lambda i: (0, 0)),
            pl.BlockSpec((H, H), lambda i: (0, 0)),
            pl.BlockSpec((1, H), lambda i: (0, 0)),
            pl.BlockSpec((H, D), lambda i: (0, 0)),
            pl.BlockSpec((1, D), lambda i: (0, 0)),
        ],
        out_specs=pl.BlockSpec((bn, D), lambda i: (i, 0)),
        out_shape=jax.ShapeDtypeStruct((N, D), jnp.float32),
    )(x, p, w1x, w1a, bn1, w2, bn2)


def kernel(x, edge_index, edge_attr, We1, be1, We2, be2, Wn1, bn1, Wn2, bn2):
    row = edge_index[0]
    col = edge_index[1]
    xs, xt = _proj(x, We1[:D], We1[D:2 * D], 2000)
    g = _gather_sum(xs, xt, row, col)
    ef = _edge_mlp(g, edge_attr.T, We1[2 * D:], be1.reshape(1, H),
                   We2, be2.reshape(1, H), 2560)
    p = _scatter_add(ef, row)
    x_out = _node_mlp(x, p, Wn1[:D], Wn1[D:], bn1.reshape(1, H),
                      Wn2, bn2.reshape(1, D), 2000)
    return (x_out, ef)

# --- scband reference (transcript-rebuilt; emitter-appended) ---
"""Pipeline reference for scband-gcl-basic-2241972928554 (READ-ONLY COPY).

The authoritative reference and input builder live on the scoring server;
editing this copy changes nothing except your own understanding.
"""

import jax, jax.numpy as jnp
import numpy as np

N = 10000
E = 320000
D = 128
DE = 16
H = 128


def setup_inputs(seed: int = 0) -> dict:
    key = jax.random.key(seed)
    ks = jax.random.split(key, 12)
    x = jax.random.normal(ks[0], (N, D), dtype=jnp.float32)
    edge_index = jax.random.randint(ks[1], (2, E), 0, N, dtype=jnp.int32)
    edge_attr = jax.random.normal(ks[2], (E, DE), dtype=jnp.float32)
    # edge_mlp: Linear(2*D + DE -> H), ReLU, Linear(H -> H), ReLU
    s1 = 1.0 / np.sqrt(2 * D + DE)
    We1 = jax.random.uniform(ks[3], (2 * D + DE, H), dtype=jnp.float32, minval=-s1, maxval=s1)
    be1 = jax.random.uniform(ks[4], (H,), dtype=jnp.float32, minval=-s1, maxval=s1)
    s2 = 1.0 / np.sqrt(H)
    We2 = jax.random.uniform(ks[5], (H, H), dtype=jnp.float32, minval=-s2, maxval=s2)
    be2 = jax.random.uniform(ks[6], (H,), dtype=jnp.float32, minval=-s2, maxval=s2)
    # node_mlp: Linear(D + H -> H), ReLU, Linear(H -> D), + residual
    s3 = 1.0 / np.sqrt(D + H)
    Wn1 = jax.random.uniform(ks[7], (D + H, H), dtype=jnp.float32, minval=-s3, maxval=s3)
    bn1 = jax.random.uniform(ks[8], (H,), dtype=jnp.float32, minval=-s3, maxval=s3)
    s4 = 1.0 / np.sqrt(H)
    Wn2 = jax.random.uniform(ks[9], (H, D), dtype=jnp.float32, minval=-s4, maxval=s4)
    bn2 = jax.random.uniform(ks[10], (D,), dtype=jnp.float32, minval=-s4, maxval=s4)
    return {"x": x, "edge_index": edge_index, "edge_attr": edge_attr,
            "We1": We1, "be1": be1, "We2": We2, "be2": be2,
            "Wn1": Wn1, "bn1": bn1, "Wn2": Wn2, "bn2": bn2}


def reference(x, edge_index, edge_attr, We1, be1, We2, be2, Wn1, bn1, Wn2, bn2):
    row = edge_index[0]
    col = edge_index[1]
    # edge_model(source=x[row], target=x[col], edge_attr)
    source = jnp.take(x, row, axis=0)
    target = jnp.take(x, col, axis=0)
    edge_in = jnp.concatenate([source, target, edge_attr], axis=1)
    eh = jax.nn.relu(edge_in @ We1 + be1)
    edge_feat = jax.nn.relu(eh @ We2 + be2)
    # node_model(h=x, edge_index, edge_feat): scatter-add by row, then MLP + residual
    agg = jax.ops.segment_sum(edge_feat, row, num_segments=x.shape[0])
    node_in = jnp.concatenate([x, agg], axis=1)
    nh = jax.nn.relu(node_in @ Wn1 + bn1)
    x_out = nh @ Wn2 + bn2 + x
    return (x_out, edge_feat)

if __name__ == "__main__":
    import jax
    _d = setup_inputs()
    print(jax.jit(kernel)(*tuple(_d.values())))

</pallas_src>

<mosaic_0001>
#map = affine_map<(d0, d1) -> (0, 0)>
#map1 = affine_map<(d0, d1) -> (0)>
module attributes {stable_mosaic.version = 14 : i64} {
  func.func @_gather_sum_body(%arg0: i32, %arg1: i32, %arg2: memref<10000x128xf32, #tpu.memory_space<hbm>>, %arg3: memref<10000x128xf32, #tpu.memory_space<hbm>>, %arg4: memref<320000xi32, #tpu.memory_space<hbm>>, %arg5: memref<320000xi32, #tpu.memory_space<hbm>>, %arg6: memref<320000x128xf32, #tpu.memory_space<hbm>>, %arg7: memref<9984xi32, #tpu.memory_space<vmem>>, %arg8: memref<9984xi32, #tpu.memory_space<vmem>>, %arg9: memref<128x128xf32, #tpu.memory_space<vmem>>, %arg10: memref<128x128xf32, #tpu.memory_space<vmem>>, %arg11: memref<128x128xf32, #tpu.memory_space<vmem>>, %arg12: memref<128x128xf32, #tpu.memory_space<vmem>>, %arg13: memref<128x128xf32, #tpu.memory_space<vmem>>, %arg14: memref<128x128xf32, #tpu.memory_space<vmem>>, %arg15: memref<128xi32, #tpu.memory_space<vmem>>, %arg16: memref<128xi32, #tpu.memory_space<vmem>>, %arg17: memref<!tpu.dma_semaphore, #tpu.memory_space<semaphore_mem>>, %arg18: memref<!tpu.dma_semaphore, #tpu.memory_space<semaphore_mem>>, %arg19: memref<!tpu.dma_semaphore, #tpu.memory_space<semaphore_mem>>, %arg20: memref<!tpu.dma_semaphore, #tpu.memory_space<semaphore_mem>>) attributes {dimension_semantics = [#tpu.dimension_semantics<core_parallel>, #tpu.dimension_semantics<subcore_parallel>], iteration_bounds = array<i64: 2, 16>, scalar_prefetch = 0 : i64, scratch_operands = 14 : i64, tpu.core_type = #tpu.core_type<sc_vector_subcore>, window_params = [{transform_indices = #map}, {transform_indices = #map}, {transform_indices = #map1}, {transform_indices = #map1}, {transform_indices = #map}]} {
    %mul3A = arith.constant 16 : i32
    %mul3A_0 = arith.muli %arg0, %mul3A : i32
    %add3A = arith.addi %mul3A_0, %arg1 : i32
    %mul3A_1 = arith.constant 78 : i32
    %mul3A_2 = arith.muli %add3A, %mul3A_1 : i32
    %min3A = arith.constant 4 : i32
    %min3A_3 = arith.minsi %add3A, %min3A : i32
    %add3A_4 = arith.addi %mul3A_2, %min3A_3 : i32
    %mul3A_5 = arith.constant 128 : i32
    %mul3A_6 = arith.muli %add3A_4, %mul3A_5 : i32
    "tpu.region"() ({
      %run_scoped3A = tpu.sem_alloc : memref<!tpu.dma_semaphore, #tpu.memory_space<semaphore_mem>>
      %dma_start3A_36 = tpu.memref_slice %arg4[%mul3A_6] : memref<320000xi32, #tpu.memory_space<hbm>> -> memref<9984xi32, #tpu.memory_space<hbm>>
      %dma_start3A_37 = tpu.memref_slice %arg4[%mul3A_6] : memref<320000xi32, #tpu.memory_space<hbm>> -> memref<9984xi32, #tpu.memory_space<hbm>>
      tpu.enqueue_dma source(%dma_start3A_37 : memref<9984xi32, #tpu.memory_space<hbm>>) target(%arg7 : memref<9984xi32, #tpu.memory_space<vmem>>) target_semaphore(%run_scoped3A : memref<!tpu.dma_semaphore, #tpu.memory_space<semaphore_mem>>)
      %dma_wait3A_38 = tpu.memref_slice %arg4[%mul3A_6] : memref<320000xi32, #tpu.memory_space<hbm>> -> memref<9984xi32, #tpu.memory_space<hbm>>
      %dma_wait3A_39 = tpu.memref_slice %arg4[%mul3A_6] : memref<320000xi32, #tpu.memory_space<hbm>> -> memref<9984xi32, #tpu.memory_space<hbm>>
      tpu.wait_dma2 semaphore(%run_scoped3A : memref<!tpu.dma_semaphore, #tpu.memory_space<semaphore_mem>>) src(%dma_wait3A_39 : memref<9984xi32, #tpu.memory_space<hbm>>) dst(%arg7 : memref<9984xi32, #tpu.memory_space<vmem>>)
      tpu.yield
    }) : () -> ()
    %mul3A_7 = arith.constant 128 : i32
    %mul3A_8 = arith.muli %add3A_4, %mul3A_7 : i32
    "tpu.region"() ({
      %run_scoped3A = tpu.sem_alloc : memref<!tpu.dma_semaphore, #tpu.memory_space<semaphore_mem>>
      %dma_start3A_36 = tpu.memref_slice %arg5[%mul3A_8] : memref<320000xi32, #tpu.memory_space<hbm>> -> memref<9984xi32, #tpu.memory_space<hbm>>
      %dma_start3A_37 = tpu.memref_slice %arg5[%mul3A_8] : memref<320000xi32, #tpu.memory_space<hbm>> -> memref<9984xi32, #tpu.memory_space<hbm>>
      tpu.enqueue_dma source(%dma_start3A_37 : memref<9984xi32, #tpu.memory_space<hbm>>) target(%arg8 : memref<9984xi32, #tpu.memory_space<vmem>>) target_semaphore(%run_scoped3A : memref<!tpu.dma_semaphore, #tpu.memory_space<semaphore_mem>>)
      %dma_wait3A_38 = tpu.memref_slice %arg5[%mul3A_8] : memref<320000xi32, #tpu.memory_space<hbm>> -> memref<9984xi32, #tpu.memory_space<hbm>>
      %dma_wait3A_39 = tpu.memref_slice %arg5[%mul3A_8] : memref<320000xi32, #tpu.memory_space<hbm>> -> memref<9984xi32, #tpu.memory_space<hbm>>
      tpu.wait_dma2 semaphore(%run_scoped3A : memref<!tpu.dma_semaphore, #tpu.memory_space<semaphore_mem>>) src(%dma_wait3A_39 : memref<9984xi32, #tpu.memory_space<hbm>>) dst(%arg8 : memref<9984xi32, #tpu.memory_space<vmem>>)
      tpu.yield
    }) : () -> ()
    %dma_start3A = arith.constant 0 : i32
    %dma_start3A_9 = tpu.memref_slice %arg7[%dma_start3A] : memref<9984xi32, #tpu.memory_space<vmem>> -> memref<128xi32, #tpu.memory_space<vmem>>
    %dma_start3A_10 = arith.constant 0 : i32
    %dma_start3A_11 = arith.constant 0 : i32
    %dma_start3A_12 = tpu.memref_slice %arg2[%dma_start3A_10, %dma_start3A_11] : memref<10000x128xf32, #tpu.memory_space<hbm>> -> memref<10000x128xf32, #tpu.memory_space<hbm>>
    tpu.enqueue_indirect_dma source(%dma_start3A_12 : memref<10000x128xf32, #tpu.memory_space<hbm>>) target(%arg9 : memref<128x128xf32, #tpu.memory_space<vmem>>) offsets(%dma_start3A_9 : memref<128xi32, #tpu.memory_space<vmem>>) semaphore(%arg17 : memref<!tpu.dma_semaphore, #tpu.memory_space<semaphore_mem>>)
    %dma_start3A_13 = arith.constant 0 : i32
    %dma_start3A_14 = tpu.memref_slice %arg8[%dma_start3A_13] : memref<9984xi32, #tpu.memory_space<vmem>> -> memref<128xi32, #tpu.memory_space<vmem>>
    %dma_start3A_15 = arith.constant 0 : i32
    %dma_start3A_16 = arith.constant 0 : i32
    %dma_start3A_17 = tpu.memref_slice %arg3[%dma_start3A_15, %dma_start3A_16] : memref<10000x128xf32, #tpu.memory_space<hbm>> -> memref<10000x128xf32, #tpu.memory_space<hbm>>
    tpu.enqueue_indirect_dma source(%dma_start3A_17 : memref<10000x128xf32, #tpu.memory_space<hbm>>) target(%arg10 : memref<128x128xf32, #tpu.memory_space<vmem>>) offsets(%dma_start3A_14 : memref<128xi32, #tpu.memory_space<vmem>>) semaphore(%arg17 : memref<!tpu.dma_semaphore, #tpu.memory_space<semaphore_mem>>)
    %scan3A = arith.constant 0 : i32
    %scan3A_18 = arith.constant 0 : i32
    %scan3A_19 = arith.constant 39 : i32
    %scan3A_20 = arith.addi %scan3A_18, %scan3A_19 : i32
    %scan3A_21 = arith.constant 1 : i32
    scf.for %scan3A_36 = %scan3A_18 to %scan3A_20 step %scan3A_21  : i32 {
      %mul3A_37 = arith.constant 2 : i32
      %mul3A_38 = arith.muli %mul3A_37, %scan3A_36 : i32
      %add3A_39 = arith.constant 1 : i32
      %add3A_40 = arith.addi %mul3A_38, %add3A_39 : i32
      %mul3A_41 = arith.constant 128 : i32
      %mul3A_42 = arith.muli %add3A_40, %mul3A_41 : i32
      %dma_start3A_43 = tpu.memref_slice %arg7[%mul3A_42] : memref<9984xi32, #tpu.memory_space<vmem>> -> memref<128xi32, #tpu.memory_space<vmem>>
      %dma_start3A_44 = arith.constant 0 : i32
      %dma_start3A_45 = arith.constant 0 : i32
      %dma_start3A_46 = tpu.memref_slice %arg2[%dma_start3A_44, %dma_start3A_45] : memref<10000x128xf32, #tpu.memory_space<hbm>> -> memref<10000x128xf32, #tpu.memory_space<hbm>>
      tpu.enqueue_indirect_dma source(%dma_start3A_46 : memref<10000x128xf32, #tpu.memory_space<hbm>>) target(%arg11 : memref<128x128xf32, #tpu.memory_space<vmem>>) offsets(%dma_start3A_43 : memref<128xi32, #tpu.memory_space<vmem>>) semaphore(%arg18 : memref<!tpu.dma_semaphore, #tpu.memory_space<semaphore_mem>>)
      %mul3A_47 = arith.constant 128 : i32
      %mul3A_48 = arith.muli %add3A_40, %mul3A_47 : i32
      %dma_start3A_49 = tpu.memref_slice %arg8[%mul3A_48] : memref<9984xi32, #tpu.memory_space<vmem>> -> memref<128xi32, #tpu.memory_space<vmem>>
      %dma_start3A_50 = arith.constant 0 : i32
      %dma_start3A_51 = arith.constant 0 : i32
      %dma_start3A_52 = tpu.memref_slice %arg3[%dma_start3A_50, %dma_start3A_51] : memref<10000x128xf32, #tpu.memory_space<hbm>> -> memref<10000x128xf32, #tpu.memory_space<hbm>>
      tpu.enqueue_indirect_dma source(%dma_start3A_52 : memref<10000x128xf32, #tpu.memory_space<hbm>>) target(%arg12 : memref<128x128xf32, #tpu.memory_space<vmem>>) offsets(%dma_start3A_49 : memref<128xi32, #tpu.memory_space<vmem>>) semaphore(%arg18 : memref<!tpu.dma_semaphore, #tpu.memory_space<semaphore_mem>>)
      %dma_wait3A_53 = arith.constant 0 : i32
      %dma_wait3A_54 = arith.constant 0 : i32
      %dma_wait3A_55 = tpu.memref_slice %arg2[%dma_wait3A_53, %dma_wait3A_54] : memref<10000x128xf32, #tpu.memory_space<hbm>> -> memref<10000x128xf32, #tpu.memory_space<hbm>>
      tpu.wait_indirect_dma semaphore(%arg17 : memref<!tpu.dma_semaphore, #tpu.memory_space<semaphore_mem>>) src(%dma_wait3A_55 : memref<10000x128xf32, #tpu.memory_space<hbm>>) dst(%arg9 : memref<128x128xf32, #tpu.memory_space<vmem>>)
      %dma_wait3A_56 = arith.constant 0 : i32
      %dma_wait3A_57 = arith.constant 0 : i32
      %dma_wait3A_58 = tpu.memref_slice %arg2[%dma_wait3A_56, %dma_wait3A_57] : memref<10000x128xf32, #tpu.memory_space<hbm>> -> memref<10000x128xf32, #tpu.memory_space<hbm>>
      tpu.wait_indirect_dma semaphore(%arg17 : memref<!tpu.dma_semaphore, #tpu.memory_space<semaphore_mem>>) src(%dma_wait3A_58 : memref<10000x128xf32, #tpu.memory_space<hbm>>) dst(%arg10 : memref<128x128xf32, #tpu.memory_space<vmem>>)
      %gt3A = arith.constant 0 : i32
      %gt3A_59 = arith.cmpi sgt, %scan3A_36, %gt3A : i32
      %convert_element_type3A_60 = arith.extui %gt3A_59 : i1 to i32
      %cond3A_61 = arith.constant 0 : i32
      %cond3A_62 = arith.cmpi ne, %convert_element_type3A_60, %cond3A_61 : i32
      scf.if %cond3A_62 {
        %mul3A_100 = arith.constant 128 : i32
        %mul3A_101 = arith.muli %add3A_4, %mul3A_100 : i32
        %dma_wait3A_102 = arith.constant 0 : i32
        %dma_wait3A_103 = tpu.memref_slice %arg6[%mul3A_101, %dma_wait3A_102] : memref<320000x128xf32, #tpu.memory_space<hbm>> -> memref<128x128xf32, #tpu.memory_space<hbm>>
        %dma_wait3A_104 = arith.constant 0 : i32
        %dma_wait3A_105 = tpu.memref_slice %arg6[%mul3A_101, %dma_wait3A_104] : memref<320000x128xf32, #tpu.memory_space<hbm>> -> memref<128x128xf32, #tpu.memory_space<hbm>>
        tpu.wait_dma2 semaphore(%arg19 : memref<!tpu.dma_semaphore, #tpu.memory_space<semaphore_mem>>) src(%arg13 : memref<128x128xf32, #tpu.memory_space<vmem>>) dst(%dma_wait3A_105 : memref<128x128xf32, #tpu.memory_space<hbm>>)
      } else {
      }
      %parallel_loop3A = arith.constant 0 : i32
      %parallel_loop3A_63 = arith.constant 128 : i32
      %parallel_loop3A_64 = arith.constant 1 : i32
      scf.for %parallel_loop3A_100 = %parallel_loop3A to %parallel_loop3A_63 step %parallel_loop3A_64  : i32 {
        %parallel_loop3A_101 = arith.index_cast %parallel_loop3A_100 : i32 to index
        %parallel_loop3A_102 = arith.constant 0 : index
        %parallel_loop3A_103 = tpu.vector_load %arg9[%parallel_loop3A_101, %parallel_loop3A_102] {strides = array<i32>} : memref<128x128xf32, #tpu.memory_space<vmem>>, vector<1x16xf32>,
        %parallel_loop3A_104 = vector.shape_cast %parallel_loop3A_103 : vector<1x16xf32> to vector<16xf32>
        %parallel_loop3A_105 = arith.index_cast %parallel_loop3A_100 : i32 to index
        %parallel_loop3A_106 = arith.constant 0 : index
        %parallel_loop3A_107 = tpu.vector_load %arg10[%parallel_loop3A_105, %parallel_loop3A_106] {strides = array<i32>} : memref<128x128xf32, #tpu.memory_space<vmem>>, vector<1x16xf32>,
        %parallel_loop3A_108 = vector.shape_cast %parallel_loop3A_107 : vector<1x16xf32> to vector<16xf32>
        %parallel_loop3A_109 = arith.addf %parallel_loop3A_104, %parallel_loop3A_108 : vector<16xf32>
        %parallel_loop3A_110 = arith.index_cast %parallel_loop3A_100 : i32 to index
        %parallel_loop3A_111 = arith.constant 0 : index
        %parallel_loop3A_112 = tpu.vector_load %arg13[%parallel_loop3A_110, %parallel_loop3A_111] {strides = array<i32>} : memref<128x128xf32, #tpu.memory_space<vmem>>, vector<1x16xf32>,
        %parallel_loop3A_113 = vector.shape_cast %parallel_loop3A_112 : vector<1x16xf32> to vector<16xf32>
        %parallel_loop3A_114 = vector.shape_cast %parallel_loop3A_109 : vector<16xf32> to vector<1x16xf32>
        tpu.vector_store %arg13[%parallel_loop3A_110, %parallel_loop3A_111], %parallel_loop3A_114 {strides = array<i32>} : memref<128x128xf32, #tpu.memory_space<vmem>>, vector<1x16xf32>,
        %parallel_loop3A_115 = arith.index_cast %parallel_loop3A_100 : i32 to index
        %parallel_loop3A_116 = arith.constant 16 : index
        %parallel_loop3A_117 = tpu.vector_load %arg9[%parallel_loop3A_115, %parallel_loop3A_116] {strides = array<i32>} : memref<128x128xf32, #tpu.memory_space<vmem>>, vector<1x16xf32>,
        %parallel_loop3A_118 = vector.shape_cast %parallel_loop3A_117 : vector<1x16xf32> to vector<16xf32>
        %parallel_loop3A_119 = arith.index_cast %parallel_loop3A_100 : i32 to index
        %parallel_loop3A_120 = arith.constant 16 : index
        %parallel_loop3A_121 = tpu.vector_load %arg10[%parallel_loop3A_119, %parallel_loop3A_120] {strides = array<i32>} : memref<128x128xf32, #tpu.memory_space<vmem>>, vector<1x16xf32>,
        %parallel_loop3A_122 = vector.shape_cast %parallel_loop3A_121 : vector<1x16xf32> to vector<16xf32>
        %parallel_loop3A_123 = arith.addf %parallel_loop3A_118, %parallel_loop3A_122 : vector<16xf32>
        %parallel_loop3A_124 = arith.index_cast %parallel_loop3A_100 : i32 to index
        %parallel_loop3A_125 = arith.constant 16 : index
        %parallel_loop3A_126 = tpu.vector_load %arg13[%parallel_loop3A_124, %parallel_loop3A_125] {strides = array<i32>} : memref<128x128xf32, #tpu.memory_space<vmem>>, vector<1x16xf32>,
        %parallel_loop3A_127 = vector.shape_cast %parallel_loop3A_126 : vector<1x16xf32> to vector<16xf32>
        %parallel_loop3A_128 = vector.shape_cast %parallel_loop3A_123 : vector<16xf32> to vector<1x16xf32>
        tpu.vector_store %arg13[%parallel_loop3A_124, %parallel_loop3A_125], %parallel_loop3A_128 {strides = array<i32>} : memref<128x128xf32, #tpu.memory_space<vmem>>, vector<1x16xf32>,
        %parallel_loop3A_129 = arith.index_cast %parallel_loop3A_100 : i32 to index
        %parallel_loop3A_130 = arith.constant 32 : index
        %parallel_loop3A_131 = tpu.vector_load %arg9[%parallel_loop3A_129, %parallel_loop3A_130] {strides = array<i32>} : memref<128x128xf32, #tpu.memory_space<vmem>>, vector<1x16xf32>,
        %parallel_loop3A_132 = vector.shape_cast %parallel_loop3A_131 : vector<1x16xf32> to vector<16xf32>
        %parallel_loop3A_133 = arith.index_cast %parallel_loop3A_100 : i32 to index
        %parallel_loop3A_134 = arith.constant 32 : index
        %parallel_loop3A_135 = tpu.vector_load %arg10[%parallel_loop3A_133, %parallel_loop3A_134] {strides = array<i32>} : memref<128x128xf32, #tpu.memory_space<vmem>>, vector<1x16xf32>,
        %parallel_loop3A_136 = vector.shape_cast %parallel_loop3A_135 : vector<1x16xf32> to vector<16xf32>
        %parallel_loop3A_137 = arith.addf %parallel_loop3A_132, %parallel_loop3A_136 : vector<16xf32>
        %parallel_loop3A_138 = arith.index_cast %parallel_loop3A_100 : i32 to index
        %parallel_loop3A_139 = arith.constant 32 : index
        %parallel_loop3A_140 = tpu.vector_load %arg13[%parallel_loop3A_138, %parallel_loop3A_139] {strides = array<i32>} : memref<128x128xf32, #tpu.memory_space<vmem>>, vector<1x16xf32>,
        %parallel_loop3A_141 = vector.shape_cast %parallel_loop3A_140 : vector<1x16xf32> to vector<16xf32>
        %parallel_loop3A_142 = vector.shape_cast %parallel_loop3A_137 : vector<16xf32> to vector<1x16xf32>
        tpu.vector_store %arg13[%parallel_loop3A_138, %parallel_loop3A_139], %parallel_loop3A_142 {strides = array<i32>} : memref<128x128xf32, #tpu.memory_space<vmem>>, vector<1x16xf32>,
        %parallel_loop3A_143 = arith.index_cast %parallel_loop3A_100 : i32 to index
        %parallel_loop3A_144 = arith.constant 48 : index
        %parallel_loop3A_145 = tpu.vector_load %arg9[%parallel_loop3A_143, %parallel_loop3A_144] {strides = array<i32>} : memref<128x128xf32, #tpu.memory_space<vmem>>, vector<1x16xf32>,
        %parallel_loop3A_146 = vector.shape_cast %parallel_loop3A_145 : vector<1x16xf32> to vector<16xf32>
        %parallel_loop3A_147 = arith.index_cast %parallel_loop3A_100 : i32 to index
        %parallel_loop3A_148 = arith.constant 48 : index
        %parallel_loop3A_149 = tpu.vector_load %arg10[%parallel_loop3A_147, %parallel_loop3A_148] {strides = array<i32>} : memref<128x128xf32, #tpu.memory_space<vmem>>, vector<1x16xf32>,
        %parallel_loop3A_150 = vector.shape_cast %parallel_loop3A_149 : vector<1x16xf32> to vector<16xf32>
        %parallel_loop3A_151 = arith.addf %parallel_loop3A_146, %parallel_loop3A_150 : vector<16xf32>
        %parallel_loop3A_152 = arith.index_cast %parallel_loop3A_100 : i32 to index
        %parallel_loop3A_153 = arith.constant 48 : index
        %parallel_loop3A_154 = tpu.vector_load %arg13[%parallel_loop3A_152, %parallel_loop3A_153] {strides = array<i32>} : memref<128x128xf32, #tpu.memory_space<vmem>>, vector<1x16xf32>,
        %parallel_loop3A_155 = vector.shape_cast %parallel_loop3A_154 : vector<1x16xf32> to vector<16xf32>
        %parallel_loop3A_156 = vector.shape_cast %parallel_loop3A_151 : vector<16xf32> to vector<1x16xf32>
        tpu.vector_store %arg13[%parallel_loop3A_152, %parallel_loop3A_153], %parallel_loop3A_156 {strides = array<i32>} : memref<128x128xf32, #tpu.memory_space<vmem>>, vector<1x16xf32>,
        %parallel_loop3A_157 = arith.index_cast %parallel_loop3A_100 : i32 to index
        %parallel_loop3A_158 = arith.constant 64 : index
        %parallel_loop3A_159 = tpu.vector_load %arg9[%parallel_loop3A_157, %parallel_loop3A_158] {strides = array<i32>} : memref<128x128xf32, #tpu.memory_space<vmem>>, vector<1x16xf32>,
        %parallel_loop3A_160 = vector.shape_cast %parallel_loop3A_159 : vector<1x16xf32> to vector<16xf32>
        %parallel_loop3A_161 = arith.index_cast %parallel_loop3A_100 : i32 to index
        %parallel_loop3A_162 = arith.constant 64 : index
        %parallel_loop3A_163 = tpu.vector_load %arg10[%parallel_loop3A_161, %parallel_loop3A_162] {strides = array<i32>} : memref<128x128xf32, #tpu.memory_space<vmem>>, vector<1x16xf32>,
        %parallel_loop3A_164 = vector.shape_cast %parallel_loop3A_163 : vector<1x16xf32> to vector<16xf32>
        %parallel_loop3A_165 = arith.addf %parallel_loop3A_160, %parallel_loop3A_164 : vector<16xf32>
        %parallel_loop3A_166 = arith.index_cast %parallel_loop3A_100 : i32 to index
        %parallel_loop3A_167 = arith.constant 64 : index
        %parallel_loop3A_168 = tpu.vector_load %arg13[%parallel_loop3A_166, %parallel_loop3A_167] {strides = array<i32>} : memref<128x128xf32, #tpu.memory_space<vmem>>, vector<1x16xf32>,
        %parallel_loop3A_169 = vector.shape_cast %parallel_loop3A_168 : vector<1x16xf32> to vector<16xf32>
        %parallel_loop3A_170 = vector.shape_cast %parallel_loop3A_165 : vector<16xf32> to vector<1x16xf32>
        tpu.vector_store %arg13[%parallel_loop3A_166, %parallel_loop3A_167], %parallel_loop3A_170 {strides = array<i32>} : memref<128x128xf32, #tpu.memory_space<vmem>>, vector<1x16xf32>,
        %parallel_loop3A_171 = arith.index_cast %parallel_loop3A_100 : i32 to index
        %parallel_loop3A_172 = arith.constant 80 : index
        %parallel_loop3A_173 = tpu.vector_load %arg9[%parallel_loop3A_171, %parallel_loop3A_172] {strides = array<i32>} : memref<128x128xf32, #tpu.memory_space<vmem>>, vector<1x16xf32>,
        %parallel_loop3A_174 = vector.shape_cast %parallel_loop3A_173 : vector<1x16xf32> to vector<16xf32>
        %parallel_loop3A_175 = arith.index_cast %parallel_loop3A_100 : i32 to index
        %parallel_loop3A_176 = arith.constant 80 : index
        %parallel_loop3A_177 = tpu.vector_load %arg10[%parallel_loop3A_175, %parallel_loop3A_176] {strides = array<i32>} : memref<128x128xf32, #tpu.memory_space<vmem>>, vector<1x16xf32>,
        %parallel_loop3A_178 = vector.shape_cast %parallel_loop3A_177 : vector<1x16xf32> to vector<16xf32>
        %parallel_loop3A_179 = arith.addf %parallel_loop3A_174, %parallel_loop3A_178 : vector<16xf32>
        %parallel_loop3A_180 = arith.index_cast %parallel_loop3A_100 : i32 to index
        %parallel_loop3A_181 = arith.constant 80 : index
        %parallel_loop3A_182 = tpu.vector_load %arg13[%parallel_loop3A_180, %parallel_loop3A_181] {strides = array<i32>} : memref<128x128xf32, #tpu.memory_space<vmem>>, vector<1x16xf32>,
        %parallel_loop3A_183 = vector.shape_cast %parallel_loop3A_182 : vector<1x16xf32> to vector<16xf32>
        %parallel_loop3A_184 = vector.shape_cast %parallel_loop3A_179 : vector<16xf32> to vector<1x16xf32>
        tpu.vector_store %arg13[%parallel_loop3A_180, %parallel_loop3A_181], %parallel_loop3A_184 {strides = array<i32>} : memref<128x128xf32, #tpu.memory_space<vmem>>, vector<1x16xf32>,
        %parallel_loop3A_185 = arith.index_cast %parallel_loop3A_100 : i32 to index
        %parallel_loop3A_186 = arith.constant 96 : index
        %parallel_loop3A_187 = tpu.vector_load %arg9[%parallel_loop3A_185, %parallel_loop3A_186] {strides = array<i32>} : memref<128x128xf32, #tpu.memory_space<vmem>>, vector<1x16xf32>,
        %parallel_loop3A_188 = vector.shape_cast %parallel_loop3A_187 : vector<1x16xf32> to vector<16xf32>
        %parallel_loop3A_189 = arith.index_cast %parallel_loop3A_100 : i32 to index
        %parallel_loop3A_190 = arith.constant 96 : index
        %parallel_loop3A_191 = tpu.vector_load %arg10[%parallel_loop3A_189, %parallel_loop3A_190] {strides = array<i32>} : memref<128x128xf32, #tpu.memory_space<vmem>>, vector<1x16xf32>,
        %parallel_loop3A_192 = vector.shape_cast %parallel_loop3A_191 : vector<1x16xf32> to vector<16xf32>
        %parallel_loop3A_193 = arith.addf %parallel_loop3A_188, %parallel_loop3A_192 : vector<16xf32>
        %parallel_loop3A_194 = arith.index_cast %parallel_loop3A_100 : i32 to index
        %parallel_loop3A_195 = arith.constant 96 : index
        %parallel_loop3A_196 = tpu.vector_load %arg13[%parallel_loop3A_194, %parallel_loop3A_195] {strides = array<i32>} : memref<128x128xf32, #tpu.memory_space<vmem>>, vector<1x16xf32>,
        %parallel_loop3A_197 = vector.shape_cast %parallel_loop3A_196 : vector<1x16xf32> to vector<16xf32>
        %parallel_loop3A_198 = vector.shape_cast %parallel_loop3A_193 : vector<16xf32> to vector<1x16xf32>
        tpu.vector_store %arg13[%parallel_loop3A_194, %parallel_loop3A_195], %parallel_loop3A_198 {strides = array<i32>} : memref<128x128xf32, #tpu.memory_space<vmem>>, vector<1x16xf32>,
        %parallel_loop3A_199 = arith.index_cast %parallel_loop3A_100 : i32 to index
        %parallel_loop3A_200 = arith.constant 112 : index
        %parallel_loop3A_201 = tpu.vector_load %arg9[%parallel_loop3A_199, %parallel_loop3A_200] {strides = array<i32>} : memref<128x128xf32, #tpu.memory_space<vmem>>, vector<1x16xf32>,
        %parallel_loop3A_202 = vector.shape_cast %parallel_loop3A_201 : vector<1x16xf32> to vector<16xf32>
        %parallel_loop3A_203 = arith.index_cast %parallel_loop3A_100 : i32 to index
        %parallel_loop3A_204 = arith.constant 112 : index
        %parallel_loop3A_205 = tpu.vector_load %arg10[%parallel_loop3A_203, %parallel_loop3A_204] {strides = array<i32>} : memref<128x128xf32, #tpu.memory_space<vmem>>, vector<1x16xf32>,
        %parallel_loop3A_206 = vector.shape_cast %parallel_loop3A_205 : vector<1x16xf32> to vector<16xf32>
        %parallel_loop3A_207 = arith.addf %parallel_loop3A_202, %parallel_loop3A_206 : vector<16xf32>
        %parallel_loop3A_208 = arith.index_cast %parallel_loop3A_100 : i32 to index
        %parallel_loop3A_209 = arith.constant 112 : index
        %parallel_loop3A_210 = tpu.vector_load %arg13[%parallel_loop3A_208, %parallel_loop3A_209] {strides = array<i32>} : memref<128x128xf32, #tpu.memory_space<vmem>>, vector<1x16xf32>,
        %parallel_loop3A_211 = vector.shape_cast %parallel_loop3A_210 : vector<1x16xf32> to vector<16xf32>
        %parallel_loop3A_212 = vector.shape_cast %parallel_loop3A_207 : vector<16xf32> to vector<1x16xf32>
        tpu.vector_store %arg13[%parallel_loop3A_208, %parallel_loop3A_209], %parallel_loop3A_212 {strides = array<i32>} : memref<128x128xf32, #tpu.memory_space<vmem>>, vector<1x16xf32>,
      } {sc.loop_unroll_factor = 1 : i64, sc.parallel_access}
      %add3A_65 = arith.addi %add3A_4, %mul3A_38 : i32
      %mul3A_66 = arith.constant 128 : i32
      %mul3A_67 = arith.muli %add3A_65, %mul3A_66 : i32
      %dma_start3A_68 = arith.constant 0 : i32
      %dma_start3A_69 = tpu.memref_slice %arg6[%mul3A_67, %dma_start3A_68] : memref<320000x128xf32, #tpu.memory_space<hbm>> -> memref<128x128xf32, #tpu.memory_space<hbm>>
      %dma_start3A_70 = arith.constant 0 : i32
      %dma_start3A_71 = tpu.memref_slice %arg6[%mul3A_67, %dma_start3A_70] : memref<320000x128xf32, #tpu.memory_space<hbm>> -> memref<128x128xf32, #tpu.memory_space<hbm>>
      tpu.enqueue_dma source(%arg13 : memref<128x128xf32, #tpu.memory_space<vmem>>) target(%dma_start3A_71 : memref<128x128xf32, #tpu.memory_space<hbm>>) target_semaphore(%arg19 : memref<!tpu.dma_semaphore, #tpu.memory_space<semaphore_mem>>)
      %lt3A_72 = arith.constant 38 : i32
      %lt3A_73 = arith.cmpi slt, %scan3A_36, %lt3A_72 : i32
      %convert_element_type3A_74 = arith.extui %lt3A_73 : i1 to i32
      %cond3A_75 = arith.constant 0 : i32
      %cond3A_76 = arith.cmpi ne, %convert_element_type3A_74, %cond3A_75 : i32
      scf.if %cond3A_76 {
        %add3A_100 = arith.constant 2 : i32
        %add3A_101 = arith.addi %mul3A_38, %add3A_100 : i32
        %mul3A_102 = arith.constant 128 : i32
        %mul3A_103 = arith.muli %add3A_101, %mul3A_102 : i32
        %dma_start3A_104 = tpu.memref_slice %arg7[%mul3A_103] : memref<9984xi32, #tpu.memory_space<vmem>> -> memref<128xi32, #tpu.memory_space<vmem>>
        %dma_start3A_105 = arith.constant 0 : i32
        %dma_start3A_106 = arith.constant 0 : i32
        %dma_start3A_107 = tpu.memref_slice %arg2[%dma_start3A_105, %dma_start3A_106] : memref<10000x128xf32, #tpu.memory_space<hbm>> -> memref<10000x128xf32, #tpu.memory_space<hbm>>
        tpu.enqueue_indirect_dma source(%dma_start3A_107 : memref<10000x128xf32, #tpu.memory_space<hbm>>) target(%arg9 : memref<128x128xf32, #tpu.memory_space<vmem>>) offsets(%dma_start3A_104 : memref<128xi32, #tpu.memory_space<vmem>>) semaphore(%arg17 : memref<!tpu.dma_semaphore, #tpu.memory_space<semaphore_mem>>)
        %mul3A_108 = arith.constant 128 : i32
        %mul3A_109 = arith.muli %add3A_101, %mul3A_108 : i32
        %dma_start3A_110 = tpu.memref_slice %arg8[%mul3A_109] : memref<9984xi32, #tpu.memory_space<vmem>> -> memref<128xi32, #tpu.memory_space<vmem>>
        %dma_start3A_111 = arith.constant 0 : i32
        %dma_start3A_112 = arith.constant 0 : i32
        %dma_start3A_113 = tpu.memref_slice %arg3[%dma_start3A_111, %dma_start3A_112] : memref<10000x128xf32, #tpu.memory_space<hbm>> -> memref<10000x128xf32, #tpu.memory_space<hbm>>
        tpu.enqueue_indirect_dma source(%dma_start3A_113 : memref<10000x128xf32, #tpu.memory_space<hbm>>) target(%arg10 : memref<128x128xf32, #tpu.memory_space<vmem>>) offsets(%dma_start3A_110 : memref<128xi32, #tpu.memory_space<vmem>>) semaphore(%arg17 : memref<!tpu.dma_semaphore, #tpu.memory_space<semaphore_mem>>)
      } else {
      }
      %dma_wait3A_77 = arith.constant 0 : i32
      %dma_wait3A_78 = arith.constant 0 : i32
      %dma_wait3A_79 = tpu.memref_slice %arg2[%dma_wait3A_77, %dma_wait3A_78] : memref<10000x128xf32, #tpu.memory_space<hbm>> -> memref<10000x128xf32, #tpu.memory_space<hbm>>
      tpu.wait_indirect_dma semaphore(%arg18 : memref<!tpu.dma_semaphore, #tpu.memory_space<semaphore_mem>>) src(%dma_wait3A_79 : memref<10000x128xf32, #tpu.memory_space<hbm>>) dst(%arg11 : memref<128x128xf32, #tpu.memory_space<vmem>>)
      %dma_wait3A_80 = arith.constant 0 : i32
      %dma_wait3A_81 = arith.constant 0 : i32
      %dma_wait3A_82 = tpu.memref_slice %arg2[%dma_wait3A_80, %dma_wait3A_81] : memref<10000x128xf32, #tpu.memory_space<hbm>> -> memref<10000x128xf32, #tpu.memory_space<hbm>>
      tpu.wait_indirect_dma semaphore(%arg18 : memref<!tpu.dma_semaphore, #tpu.memory_space<semaphore_mem>>) src(%dma_wait3A_82 : memref<10000x128xf32, #tpu.memory_space<hbm>>) dst(%arg12 : memref<128x128xf32, #tpu.memory_space<vmem>>)
      %gt3A_83 = arith.constant 0 : i32
      %gt3A_84 = arith.cmpi sgt, %scan3A_36, %gt3A_83 : i32
      %convert_element_type3A_85 = arith.extui %gt3A_84 : i1 to i32
      %cond3A_86 = arith.constant 0 : i32
      %cond3A_87 = arith.cmpi ne, %convert_element_type3A_85, %cond3A_86 : i32
      scf.if %cond3A_87 {
        %mul3A_100 = arith.constant 128 : i32
        %mul3A_101 = arith.muli %add3A_4, %mul3A_100 : i32
        %dma_wait3A_102 = arith.constant 0 : i32
        %dma_wait3A_103 = tpu.memref_slice %arg6[%mul3A_101, %dma_wait3A_102] : memref<320000x128xf32, #tpu.memory_space<hbm>> -> memref<128x128xf32, #tpu.memory_space<hbm>>
        %dma_wait3A_104 = arith.constant 0 : i32
        %dma_wait3A_105 = tpu.memref_slice %arg6[%mul3A_101, %dma_wait3A_104] : memref<320000x128xf32, #tpu.memory_space<hbm>> -> memref<128x128xf32, #tpu.memory_space<hbm>>
        tpu.wait_dma2 semaphore(%arg20 : memref<!tpu.dma_semaphore, #tpu.memory_space<semaphore_mem>>) src(%arg14 : memref<128x128xf32, #tpu.memory_space<vmem>>) dst(%dma_wait3A_105 : memref<128x128xf32, #tpu.memory_space<hbm>>)
      } else {
      }
      %parallel_loop3A_88 = arith.constant 0 : i32
      %parallel_loop3A_89 = arith.constant 128 : i32
      %parallel_loop3A_90 = arith.constant 1 : i32
      scf.for %parallel_loop3A_100 = %parallel_loop3A_88 to %parallel_loop3A_89 step %parallel_loop3A_90  : i32 {
        %parallel_loop3A_101 = arith.index_cast %parallel_loop3A_100 : i32 to index
        %parallel_loop3A_102 = arith.constant 0 : index
        %parallel_loop3A_103 = tpu.vector_load %arg11[%parallel_loop3A_101, %parallel_loop3A_102] {strides = array<i32>} : memref<128x128xf32, #tpu.memory_space<vmem>>, vector<1x16xf32>,
        %parallel_loop3A_104 = vector.shape_cast %parallel_loop3A_103 : vector<1x16xf32> to vector<16xf32>
        %parallel_loop3A_105 = arith.index_cast %parallel_loop3A_100 : i32 to index
        %parallel_loop3A_106 = arith.constant 0 : index
        %parallel_loop3A_107 = tpu.vector_load %arg12[%parallel_loop3A_105, %parallel_loop3A_106] {strides = array<i32>} : memref<128x128xf32, #tpu.memory_space<vmem>>, vector<1x16xf32>,
        %parallel_loop3A_108 = vector.shape_cast %parallel_loop3A_107 : vector<1x16xf32> to vector<16xf32>
        %parallel_loop3A_109 = arith.addf %parallel_loop3A_104, %parallel_loop3A_108 : vector<16xf32>
        %parallel_loop3A_110 = arith.index_cast %parallel_loop3A_100 : i32 to index
        %parallel_loop3A_111 = arith.constant 0 : index
        %parallel_loop3A_112 = tpu.vector_load %arg14[%parallel_loop3A_110, %parallel_loop3A_111] {strides = array<i32>} : memref<128x128xf32, #tpu.memory_space<vmem>>, vector<1x16xf32>,
        %parallel_loop3A_113 = vector.shape_cast %parallel_loop3A_112 : vector<1x16xf32> to vector<16xf32>
        %parallel_loop3A_114 = vector.shape_cast %parallel_loop3A_109 : vector<16xf32> to vector<1x16xf32>
        tpu.vector_store %arg14[%parallel_loop3A_110, %parallel_loop3A_111], %parallel_loop3A_114 {strides = array<i32>} : memref<128x128xf32, #tpu.memory_space<vmem>>, vector<1x16xf32>,
        %parallel_loop3A_115 = arith.index_cast %parallel_loop3A_100 : i32 to index
        %parallel_loop3A_116 = arith.constant 16 : index
        %parallel_loop3A_117 = tpu.vector_load %arg11[%parallel_loop3A_115, %parallel_loop3A_116] {strides = array<i32>} : memref<128x128xf32, #tpu.memory_space<vmem>>, vector<1x16xf32>,
        %parallel_loop3A_118 = vector.shape_cast %parallel_loop3A_117 : vector<1x16xf32> to vector<16xf32>
        %parallel_loop3A_119 = arith.index_cast %parallel_loop3A_100 : i32 to index
        %parallel_loop3A_120 = arith.constant 16 : index
        %parallel_loop3A_121 = tpu.vector_load %arg12[%parallel_loop3A_119, %parallel_loop3A_120] {strides = array<i32>} : memref<128x128xf32, #tpu.memory_space<vmem>>, vector<1x16xf32>,
        %parallel_loop3A_122 = vector.shape_cast %parallel_loop3A_121 : vector<1x16xf32> to vector<16xf32>
        %parallel_loop3A_123 = arith.addf %parallel_loop3A_118, %parallel_loop3A_122 : vector<16xf32>
        %parallel_loop3A_124 = arith.index_cast %parallel_loop3A_100 : i32 to index
        %parallel_loop3A_125 = arith.constant 16 : index
        %parallel_loop3A_126 = tpu.vector_load %arg14[%parallel_loop3A_124, %parallel_loop3A_125] {strides = array<i32>} : memref<128x128xf32, #tpu.memory_space<vmem>>, vector<1x16xf32>,
        %parallel_loop3A_127 = vector.shape_cast %parallel_loop3A_126 : vector<1x16xf32> to vector<16xf32>
        %parallel_loop3A_128 = vector.shape_cast %parallel_loop3A_123 : vector<16xf32> to vector<1x16xf32>
        tpu.vector_store %arg14[%parallel_loop3A_124, %parallel_loop3A_125], %parallel_loop3A_128 {strides = array<i32>} : memref<128x128xf32, #tpu.memory_space<vmem>>, vector<1x16xf32>,
        %parallel_loop3A_129 = arith.index_cast %parallel_loop3A_100 : i32 to index
        %parallel_loop3A_130 = arith.constant 32 : index
        %parallel_loop3A_131 = tpu.vector_load %arg11[%parallel_loop3A_129, %parallel_loop3A_130] {strides = array<i32>} : memref<128x128xf32, #tpu.memory_space<vmem>>, vector<1x16xf32>,
        %parallel_loop3A_132 = vector.shape_cast %parallel_loop3A_131 : vector<1x16xf32> to vector<16xf32>
        %parallel_loop3A_133 = arith.index_cast %parallel_loop3A_100 : i32 to index
        %parallel_loop3A_134 = arith.constant 32 : index
        %parallel_loop3A_135 = tpu.vector_load %arg12[%parallel_loop3A_133, %parallel_loop3A_134] {strides = array<i32>} : memref<128x128xf32, #tpu.memory_space<vmem>>, vector<1x16xf32>,
        %parallel_loop3A_136 = vector.shape_cast %parallel_loop3A_135 : vector<1x16xf32> to vector<16xf32>
        %parallel_loop3A_137 = arith.addf %parallel_loop3A_132, %parallel_loop3A_136 : vector<16xf32>
        %parallel_loop3A_138 = arith.index_cast %parallel_loop3A_100 : i32 to index
        %parallel_loop3A_139 = arith.constant 32 : index
        %parallel_loop3A_140 = tpu.vector_load %arg14[%parallel_loop3A_138, %parallel_loop3A_139] {strides = array<i32>} : memref<128x128xf32, #tpu.memory_space<vmem>>, vector<1x16xf32>,
        %parallel_loop3A_141 = vector.shape_cast %parallel_loop3A_140 : vector<1x16xf32> to vector<16xf32>
        %parallel_loop3A_142 = vector.shape_cast %parallel_loop3A_137 : vector<16xf32> to vector<1x16xf32>
        tpu.vector_store %arg14[%parallel_loop3A_138, %parallel_loop3A_139], %parallel_loop3A_142 {strides = array<i32>} : memref<128x128xf32, #tpu.memory_space<vmem>>, vector<1x16xf32>,
        %parallel_loop3A_143 = arith.index_cast %parallel_loop3A_100 : i32 to index
        %parallel_loop3A_144 = arith.constant 48 : index
        %parallel_loop3A_145 = tpu.vector_load %arg11[%parallel_loop3A_143, %parallel_loop3A_144] {strides = array<i32>} : memref<128x128xf32, #tpu.memory_space<vmem>>, vector<1x16xf32>,
        %parallel_loop3A_146 = vector.shape_cast %parallel_loop3A_145 : vector<1x16xf32> to vector<16xf32>
        %parallel_loop3A_147 = arith.index_cast %parallel_loop3A_100 : i32 to index
        %parallel_loop3A_148 = arith.constant 48 : index
        %parallel_loop3A_149 = tpu.vector_load %arg12[%parallel_loop3A_147, %parallel_loop3A_148] {strides = array<i32>} : memref<128x128xf32, #tpu.memory_space<vmem>>, vector<1x16xf32>,
        %parallel_loop3A_150 = vector.shape_cast %parallel_loop3A_149 : vector<1x16xf32> to vector<16xf32>
        %parallel_loop3A_151 = arith.addf %parallel_loop3A_146, %parallel_loop3A_150 : vector<16xf32>
        %parallel_loop3A_152 = arith.index_cast %parallel_loop3A_100 : i32 to index
        %parallel_loop3A_153 = arith.constant 48 : index
        %parallel_loop3A_154 = tpu.vector_load %arg14[%parallel_loop3A_152, %parallel_loop3A_153] {strides = array<i32>} : memref<128x128xf32, #tpu.memory_space<vmem>>, vector<1x16xf32>,
        %parallel_loop3A_155 = vector.shape_cast %parallel_loop3A_154 : vector<1x16xf32> to vector<16xf32>
        %parallel_loop3A_156 = vector.shape_cast %parallel_loop3A_151 : vector<16xf32> to vector<1x16xf32>
        tpu.vector_store %arg14[%parallel_loop3A_152, %parallel_loop3A_153], %parallel_loop3A_156 {strides = array<i32>} : memref<128x128xf32, #tpu.memory_space<vmem>>, vector<1x16xf32>,
        %parallel_loop3A_157 = arith.index_cast %parallel_loop3A_100 : i32 to index
        %parallel_loop3A_158 = arith.constant 64 : index
        %parallel_loop3A_159 = tpu.vector_load %arg11[%parallel_loop3A_157, %parallel_loop3A_158] {strides = array<i32>} : memref<128x128xf32, #tpu.memory_space<vmem>>, vector<1x16xf32>,
        %parallel_loop3A_160 = vector.shape_cast %parallel_loop3A_159 : vector<1x16xf32> to vector<16xf32>
        %parallel_loop3A_161 = arith.index_cast %parallel_loop3A_100 : i32 to index
        %parallel_loop3A_162 = arith.constant 64 : index
        %parallel_loop3A_163 = tpu.vector_load %arg12[%parallel_loop3A_161, %parallel_loop3A_162] {strides = array<i32>} : memref<128x128xf32, #tpu.memory_space<vmem>>, vector<1x16xf32>,
        %parallel_loop3A_164 = vector.shape_cast %parallel_loop3A_163 : vector<1x16xf32> to vector<16xf32>
        %parallel_loop3A_165 = arith.addf %parallel_loop3A_160, %parallel_loop3A_164 : vector<16xf32>
        %parallel_loop3A_166 = arith.index_cast %parallel_loop3A_100 : i32 to index
        %parallel_loop3A_167 = arith.constant 64 : index
        %parallel_loop3A_168 = tpu.vector_load %arg14[%parallel_loop3A_166, %parallel_loop3A_167] {strides = array<i32>} : memref<128x128xf32, #tpu.memory_space<vmem>>, vector<1x16xf32>,
        %parallel_loop3A_169 = vector.shape_cast %parallel_loop3A_168 : vector<1x16xf32> to vector<16xf32>
        %parallel_loop3A_170 = vector.shape_cast %parallel_loop3A_165 : vector<16xf32> to vector<1x16xf32>
        tpu.vector_store %arg14[%parallel_loop3A_166, %parallel_loop3A_167], %parallel_loop3A_170 {strides = array<i32>} : memref<128x128xf32, #tpu.memory_space<vmem>>, vector<1x16xf32>,
        %parallel_loop3A_171 = arith.index_cast %parallel_loop3A_100 : i32 to index
        %parallel_loop3A_172 = arith.constant 80 : index
        %parallel_loop3A_173 = tpu.vector_load %arg11[%parallel_loop3A_171, %parallel_loop3A_172] {strides = array<i32>} : memref<128x128xf32, #tpu.memory_space<vmem>>, vector<1x16xf32>,
        %parallel_loop3A_174 = vector.shape_cast %parallel_loop3A_173 : vector<1x16xf32> to vector<16xf32>
        %parallel_loop3A_175 = arith.index_cast %parallel_loop3A_100 : i32 to index
        %parallel_loop3A_176 = arith.constant 80 : index
        %parallel_loop3A_177 = tpu.vector_load %arg12[%parallel_loop3A_175, %parallel_loop3A_176] {strides = array<i32>} : memref<128x128xf32, #tpu.memory_space<vmem>>, vector<1x16xf32>,
        %parallel_loop3A_178 = vector.shape_cast %parallel_loop3A_177 : vector<1x16xf32> to vector<16xf32>
        %parallel_loop3A_179 = arith.addf %parallel_loop3A_174, %parallel_loop3A_178 : vector<16xf32>
        %parallel_loop3A_180 = arith.index_cast %parallel_loop3A_100 : i32 to index
        %parallel_loop3A_181 = arith.constant 80 : index
        %parallel_loop3A_182 = tpu.vector_load %arg14[%parallel_loop3A_180, %parallel_loop3A_181] {strides = array<i32>} : memref<128x128xf32, #tpu.memory_space<vmem>>, vector<1x16xf32>,
        %parallel_loop3A_183 = vector.shape_cast %parallel_loop3A_182 : vector<1x16xf32> to vector<16xf32>
        %parallel_loop3A_184 = vector.shape_cast %parallel_loop3A_179 : vector<16xf32> to vector<1x16xf32>
        tpu.vector_store %arg14[%parallel_loop3A_180, %parallel_loop3A_181], %parallel_loop3A_184 {strides = array<i32>} : memref<128x128xf32, #tpu.memory_space<vmem>>, vector<1x16xf32>,
        %parallel_loop3A_185 = arith.index_cast %parallel_loop3A_100 : i32 to index
        %parallel_loop3A_186 = arith.constant 96 : index
        %parallel_loop3A_187 = tpu.vector_load %arg11[%parallel_loop3A_185, %parallel_loop3A_186] {strides = array<i32>} : memref<128x128xf32, #tpu.memory_space<vmem>>, vector<1x16xf32>,
        %parallel_loop3A_188 = vector.shape_cast %parallel_loop3A_187 : vector<1x16xf32> to vector<16xf32>
        %parallel_loop3A_189 = arith.index_cast %parallel_loop3A_100 : i32 to index
        %parallel_loop3A_190 = arith.constant 96 : index
        %parallel_loop3A_191 = tpu.vector_load %arg12[%parallel_loop3A_189, %parallel_loop3A_190] {strides = array<i32>} : memref<128x128xf32, #tpu.memory_space<vmem>>, vector<1x16xf32>,
        %parallel_loop3A_192 = vector.shape_cast %parallel_loop3A_191 : vector<1x16xf32> to vector<16xf32>
        %parallel_loop3A_193 = arith.addf %parallel_loop3A_188, %parallel_loop3A_192 : vector<16xf32>
        %parallel_loop3A_194 = arith.index_cast %parallel_loop3A_100 : i32 to index
        %parallel_loop3A_195 = arith.constant 96 : index
        %parallel_loop3A_196 = tpu.vector_load %arg14[%parallel_loop3A_194, %parallel_loop3A_195] {strides = array<i32>} : memref<128x128xf32, #tpu.memory_space<vmem>>, vector<1x16xf32>,
        %parallel_loop3A_197 = vector.shape_cast %parallel_loop3A_196 : vector<1x16xf32> to vector<16xf32>
        %parallel_loop3A_198 = vector.shape_cast %parallel_loop3A_193 : vector<16xf32> to vector<1x16xf32>
        tpu.vector_store %arg14[%parallel_loop3A_194, %parallel_loop3A_195], %parallel_loop3A_198 {strides = array<i32>} : memref<128x128xf32, #tpu.memory_space<vmem>>, vector<1x16xf32>,
        %parallel_loop3A_199 = arith.index_cast %parallel_loop3A_100 : i32 to index
        %parallel_loop3A_200 = arith.constant 112 : index
        %parallel_loop3A_201 = tpu.vector_load %arg11[%parallel_loop3A_199, %parallel_loop3A_200] {strides = array<i32>} : memref<128x128xf32, #tpu.memory_space<vmem>>, vector<1x16xf32>,
        %parallel_loop3A_202 = vector.shape_cast %parallel_loop3A_201 : vector<1x16xf32> to vector<16xf32>
        %parallel_loop3A_203 = arith.index_cast %parallel_loop3A_100 : i32 to index
        %parallel_loop3A_204 = arith.constant 112 : index
        %parallel_loop3A_205 = tpu.vector_load %arg12[%parallel_loop3A_203, %parallel_loop3A_204] {strides = array<i32>} : memref<128x128xf32, #tpu.memory_space<vmem>>, vector<1x16xf32>,
        %parallel_loop3A_206 = vector.shape_cast %parallel_loop3A_205 : vector<1x16xf32> to vector<16xf32>
        %parallel_loop3A_207 = arith.addf %parallel_loop3A_202, %parallel_loop3A_206 : vector<16xf32>
        %parallel_loop3A_208 = arith.index_cast %parallel_loop3A_100 : i32 to index
        %parallel_loop3A_209 = arith.constant 112 : index
        %parallel_loop3A_210 = tpu.vector_load %arg14[%parallel_loop3A_208, %parallel_loop3A_209] {strides = array<i32>} : memref<128x128xf32, #tpu.memory_space<vmem>>, vector<1x16xf32>,
        %parallel_loop3A_211 = vector.shape_cast %parallel_loop3A_210 : vector<1x16xf32> to vector<16xf32>
        %parallel_loop3A_212 = vector.shape_cast %parallel_loop3A_207 : vector<16xf32> to vector<1x16xf32>
        tpu.vector_store %arg14[%parallel_loop3A_208, %parallel_loop3A_209], %parallel_loop3A_212 {strides = array<i32>} : memref<128x128xf32, #tpu.memory_space<vmem>>, vector<1x16xf32>,
      } {sc.loop_unroll_factor = 1 : i64, sc.parallel_access}
      %add3A_91 = arith.constant 1 : i32
      %add3A_92 = arith.addi %mul3A_38, %add3A_91 : i32
      %add3A_93 = arith.addi %add3A_4, %add3A_92 : i32
      %mul3A_94 = arith.constant 128 : i32
      %mul3A_95 = arith.muli %add3A_93, %mul3A_94 : i32
      %dma_start3A_96 = arith.constant 0 : i32
      %dma_start3A_97 = tpu.memref_slice %arg6[%mul3A_95, %dma_start3A_96] : memref<320000x128xf32, #tpu.memory_space<hbm>> -> memref<128x128xf32, #tpu.memory_space<hbm>>
      %dma_start3A_98 = arith.constant 0 : i32
      %dma_start3A_99 = tpu.memref_slice %arg6[%mul3A_95, %dma_start3A_98] : memref<320000x128xf32, #tpu.memory_space<hbm>> -> memref<128x128xf32, #tpu.memory_space<hbm>>
      tpu.enqueue_dma source(%arg14 : memref<128x128xf32, #tpu.memory_space<vmem>>) target(%dma_start3A_99 : memref<128x128xf32, #tpu.memory_space<hbm>>) target_semaphore(%arg20 : memref<!tpu.dma_semaphore, #tpu.memory_space<semaphore_mem>>)
    }
    %scan3A_22 = arith.constant 39 : i32
    %mul3A_23 = arith.constant 128 : i32
    %mul3A_24 = arith.muli %add3A_4, %mul3A_23 : i32
    %dma_wait3A = arith.constant 0 : i32
    %dma_wait3A_25 = tpu.memref_slice %arg6[%mul3A_24, %dma_wait3A] : memref<320000x128xf32, #tpu.memory_space<hbm>> -> memref<128x128xf32, #tpu.memory_space<hbm>>
    %dma_wait3A_26 = arith.constant 0 : i32
    %dma_wait3A_27 = tpu.memref_slice %arg6[%mul3A_24, %dma_wait3A_26] : memref<320000x128xf32, #tpu.memory_space<hbm>> -> memref<128x128xf32, #tpu.memory_space<hbm>>
    tpu.wait_dma2 semaphore(%arg19 : memref<!tpu.dma_semaphore, #tpu.memory_space<semaphore_mem>>) src(%arg13 : memref<128x128xf32, #tpu.memory_space<vmem>>) dst(%dma_wait3A_27 : memref<128x128xf32, #tpu.memory_space<hbm>>)
    %mul3A_28 = arith.constant 128 : i32
    %mul3A_29 = arith.muli %add3A_4, %mul3A_28 : i32
    %dma_wait3A_30 = arith.constant 0 : i32
    %dma_wait3A_31 = tpu.memref_slice %arg6[%mul3A_29, %dma_wait3A_30] : memref<320000x128xf32, #tpu.memory_space<hbm>> -> memref<128x128xf32, #tpu.memory_space<hbm>>
    %dma_wait3A_32 = arith.constant 0 : i32
    %dma_wait3A_33 = tpu.memref_slice %arg6[%mul3A_29, %dma_wait3A_32] : memref<320000x128xf32, #tpu.memory_space<hbm>> -> memref<128x128xf32, #tpu.memory_space<hbm>>
    tpu.wait_dma2 semaphore(%arg20 : memref<!tpu.dma_semaphore, #tpu.memory_space<semaphore_mem>>) src(%arg14 : memref<128x128xf32, #tpu.memory_space<vmem>>) dst(%dma_wait3A_33 : memref<128x128xf32, #tpu.memory_space<hbm>>)
    %lt3A = arith.constant 4 : i32
    %lt3A_34 = arith.cmpi slt, %add3A, %lt3A : i32
    %convert_element_type3A = arith.extui %lt3A_34 : i1 to i32
    %cond3A = arith.constant 0 : i32
    %cond3A_35 = arith.cmpi ne, %convert_element_type3A, %cond3A : i32
    scf.if %cond3A_35 {
      %add3A_36 = arith.constant 78 : i32
      %add3A_37 = arith.addi %add3A_4, %add3A_36 : i32
      %mul3A_38 = arith.constant 128 : i32
      %mul3A_39 = arith.muli %add3A_37, %mul3A_38 : i32
      "tpu.region"() ({
        %run_scoped3A = tpu.sem_alloc : memref<!tpu.dma_semaphore, #tpu.memory_space<semaphore_mem>>
        %dma_start3A_54 = tpu.memref_slice %arg4[%mul3A_39] : memref<320000xi32, #tpu.memory_space<hbm>> -> memref<128xi32, #tpu.memory_space<hbm>>
        %dma_start3A_55 = tpu.memref_slice %arg4[%mul3A_39] : memref<320000xi32, #tpu.memory_space<hbm>> -> memref<128xi32, #tpu.memory_space<hbm>>
        tpu.enqueue_dma source(%dma_start3A_55 : memref<128xi32, #tpu.memory_space<hbm>>) target(%arg15 : memref<128xi32, #tpu.memory_space<vmem>>) target_semaphore(%run_scoped3A : memref<!tpu.dma_semaphore, #tpu.memory_space<semaphore_mem>>)
        %dma_wait3A_56 = tpu.memref_slice %arg4[%mul3A_39] : memref<320000xi32, #tpu.memory_space<hbm>> -> memref<128xi32, #tpu.memory_space<hbm>>
        %dma_wait3A_57 = tpu.memref_slice %arg4[%mul3A_39] : memref<320000xi32, #tpu.memory_space<hbm>> -> memref<128xi32, #tpu.memory_space<hbm>>
        tpu.wait_dma2 semaphore(%run_scoped3A : memref<!tpu.dma_semaphore, #tpu.memory_space<semaphore_mem>>) src(%dma_wait3A_57 : memref<128xi32, #tpu.memory_space<hbm>>) dst(%arg15 : memref<128xi32, #tpu.memory_space<vmem>>)
        tpu.yield
      }) : () -> ()
      "tpu.region"() ({
        %run_scoped3A = tpu.sem_alloc : memref<!tpu.dma_semaphore, #tpu.memory_space<semaphore_mem>>
        %dma_start3A_54 = tpu.memref_slice %arg5[%mul3A_39] : memref<320000xi32, #tpu.memory_space<hbm>> -> memref<128xi32, #tpu.memory_space<hbm>>
        %dma_start3A_55 = tpu.memref_slice %arg5[%mul3A_39] : memref<320000xi32, #tpu.memory_space<hbm>> -> memref<128xi32, #tpu.memory_space<hbm>>
        tpu.enqueue_dma source(%dma_start3A_55 : memref<128xi32, #tpu.memory_space<hbm>>) target(%arg16 : memref<128xi32, #tpu.memory_space<vmem>>) target_semaphore(%run_scoped3A : memref<!tpu.dma_semaphore, #tpu.memory_space<semaphore_mem>>)
        %dma_wait3A_56 = tpu.memref_slice %arg5[%mul3A_39] : memref<320000xi32, #tpu.memory_space<hbm>> -> memref<128xi32, #tpu.memory_space<hbm>>
        %dma_wait3A_57 = tpu.memref_slice %arg5[%mul3A_39] : memref<320000xi32, #tpu.memory_space<hbm>> -> memref<128xi32, #tpu.memory_space<hbm>>
        tpu.wait_dma2 semaphore(%run_scoped3A : memref<!tpu.dma_semaphore, #tpu.memory_space<semaphore_mem>>) src(%dma_wait3A_57 : memref<128xi32, #tpu.memory_space<hbm>>) dst(%arg16 : memref<128xi32, #tpu.memory_space<vmem>>)
        tpu.yield
      }) : () -> ()
      %dma_start3A_40 = arith.constant 0 : i32
      %dma_start3A_41 = arith.constant 0 : i32
      %dma_start3A_42 = tpu.memref_slice %arg2[%dma_start3A_40, %dma_start3A_41] : memref<10000x128xf32, #tpu.memory_space<hbm>> -> memref<10000x128xf32, #tpu.memory_space<hbm>>
      tpu.enqueue_indirect_dma source(%dma_start3A_42 : memref<10000x128xf32, #tpu.memory_space<hbm>>) target(%arg9 : memref<128x128xf32, #tpu.memory_space<vmem>>) offsets(%arg15 : memref<128xi32, #tpu.memory_space<vmem>>) semaphore(%arg17 : memref<!tpu.dma_semaphore, #tpu.memory_space<semaphore_mem>>)
      %dma_start3A_43 = arith.constant 0 : i32
      %dma_start3A_44 = arith.constant 0 : i32
      %dma_start3A_45 = tpu.memref_slice %arg3[%dma_start3A_43, %dma_start3A_44] : memref<10000x128xf32, #tpu.memory_space<hbm>> -> memref<10000x128xf32, #tpu.memory_space<hbm>>
      tpu.enqueue_indirect_dma source(%dma_start3A_45 : memref<10000x128xf32, #tpu.memory_space<hbm>>) target(%arg10 : memref<128x128xf32, #tpu.memory_space<vmem>>) offsets(%arg16 : memref<128xi32, #tpu.memory_space<vmem>>) semaphore(%arg17 : memref<!tpu.dma_semaphore, #tpu.memory_space<semaphore_mem>>)
      %dma_wait3A_46 = arith.constant 0 : i32
      %dma_wait3A_47 = arith.constant 0 : i32
      %dma_wait3A_48 = tpu.memref_slice %arg2[%dma_wait3A_46, %dma_wait3A_47] : memref<10000x128xf32, #tpu.memory_space<hbm>> -> memref<10000x128xf32, #tpu.memory_space<hbm>>
      tpu.wait_indirect_dma semaphore(%arg17 : memref<!tpu.dma_semaphore, #tpu.memory_space<semaphore_mem>>) src(%dma_wait3A_48 : memref<10000x128xf32, #tpu.memory_space<hbm>>) dst(%arg9 : memref<128x128xf32, #tpu.memory_space<vmem>>)
      %dma_wait3A_49 = arith.constant 0 : i32
      %dma_wait3A_50 = arith.constant 0 : i32
      %dma_wait3A_51 = tpu.memref_slice %arg2[%dma_wait3A_49, %dma_wait3A_50] : memref<10000x128xf32, #tpu.memory_space<hbm>> -> memref<10000x128xf32, #tpu.memory_space<hbm>>
      tpu.wait_indirect_dma semaphore(%arg17 : memref<!tpu.dma_semaphore, #tpu.memory_space<semaphore_mem>>) src(%dma_wait3A_51 : memref<10000x128xf32, #tpu.memory_space<hbm>>) dst(%arg10 : memref<128x128xf32, #tpu.memory_space<vmem>>)
      %parallel_loop3A = arith.constant 0 : i32
      %parallel_loop3A_52 = arith.constant 128 : i32
      %parallel_loop3A_53 = arith.constant 1 : i32
      scf.for %parallel_loop3A_54 = %parallel_loop3A to %parallel_loop3A_52 step %parallel_loop3A_53  : i32 {
        %parallel_loop3A_55 = arith.index_cast %parallel_loop3A_54 : i32 to index
        %parallel_loop3A_56 = arith.constant 0 : index
        %parallel_loop3A_57 = tpu.vector_load %arg9[%parallel_loop3A_55, %parallel_loop3A_56] {strides = array<i32>} : memref<128x128xf32, #tpu.memory_space<vmem>>, vector<1x16xf32>,
        %parallel_loop3A_58 = vector.shape_cast %parallel_loop3A_57 : vector<1x16xf32> to vector<16xf32>
        %parallel_loop3A_59 = arith.index_cast %parallel_loop3A_54 : i32 to index
        %parallel_loop3A_60 = arith.constant 0 : index
        %parallel_loop3A_61 = tpu.vector_load %arg10[%parallel_loop3A_59, %parallel_loop3A_60] {strides = array<i32>} : memref<128x128xf32, #tpu.memory_space<vmem>>, vector<1x16xf32>,
        %parallel_loop3A_62 = vector.shape_cast %parallel_loop3A_61 : vector<1x16xf32> to vector<16xf32>
        %parallel_loop3A_63 = arith.addf %parallel_loop3A_58, %parallel_loop3A_62 : vector<16xf32>
        %parallel_loop3A_64 = arith.index_cast %parallel_loop3A_54 : i32 to index
        %parallel_loop3A_65 = arith.constant 0 : index
        %parallel_loop3A_66 = tpu.vector_load %arg13[%parallel_loop3A_64, %parallel_loop3A_65] {strides = array<i32>} : memref<128x128xf32, #tpu.memory_space<vmem>>, vector<1x16xf32>,
        %parallel_loop3A_67 = vector.shape_cast %parallel_loop3A_66 : vector<1x16xf32> to vector<16xf32>
        %parallel_loop3A_68 = vector.shape_cast %parallel_loop3A_63 : vector<16xf32> to vector<1x16xf32>
        tpu.vector_store %arg13[%parallel_loop3A_64, %parallel_loop3A_65], %parallel_loop3A_68 {strides = array<i32>} : memref<128x128xf32, #tpu.memory_space<vmem>>, vector<1x16xf32>,
        %parallel_loop3A_69 = arith.index_cast %parallel_loop3A_54 : i32 to index
        %parallel_loop3A_70 = arith.constant 16 : index
        %parallel_loop3A_71 = tpu.vector_load %arg9[%parallel_loop3A_69, %parallel_loop3A_70] {strides = array<i32>} : memref<128x128xf32, #tpu.memory_space<vmem>>, vector<1x16xf32>,
        %parallel_loop3A_72 = vector.shape_cast %parallel_loop3A_71 : vector<1x16xf32> to vector<16xf32>
        %parallel_loop3A_73 = arith.index_cast %parallel_loop3A_54 : i32 to index
        %parallel_loop3A_74 = arith.constant 16 : index
        %parallel_loop3A_75 = tpu.vector_load %arg10[%parallel_loop3A_73, %parallel_loop3A_74] {strides = array<i32>} : memref<128x128xf32, #tpu.memory_space<vmem>>, vector<1x16xf32>,
        %parallel_loop3A_76 = vector.shape_cast %parallel_loop3A_75 : vector<1x16xf32> to vector<16xf32>
        %parallel_loop3A_77 = arith.addf %parallel_loop3A_72, %parallel_loop3A_76 : vector<16xf32>
        %parallel_loop3A_78 = arith.index_cast %parallel_loop3A_54 : i32 to index
        %parallel_loop3A_79 = arith.constant 16 : index
        %parallel_loop3A_80 = tpu.vector_load %arg13[%parallel_loop3A_78, %parallel_loop3A_79] {strides = array<i32>} : memref<128x128xf32, #tpu.memory_space<vmem>>, vector<1x16xf32>,
        %parallel_loop3A_81 = vector.shape_cast %parallel_loop3A_80 : vector<1x16xf32> to vector<16xf32>
        %parallel_loop3A_82 = vector.shape_cast %parallel_loop3A_77 : vector<16xf32> to vector<1x16xf32>
        tpu.vector_store %arg13[%parallel_loop3A_78, %parallel_loop3A_79], %parallel_loop3A_82 {strides = array<i32>} : memref<128x128xf32, #tpu.memory_space<vmem>>, vector<1x16xf32>,
        %parallel_loop3A_83 = arith.index_cast %parallel_loop3A_54 : i32 to index
        %parallel_loop3A_84 = arith.constant 32 : index
        %parallel_loop3A_85 = tpu.vector_load %arg9[%parallel_loop3A_83, %parallel_loop3A_84] {strides = array<i32>} : memref<128x128xf32, #tpu.memory_space<vmem>>, vector<1x16xf32>,
        %parallel_loop3A_86 = vector.shape_cast %parallel_loop3A_85 : vector<1x16xf32> to vector<16xf32>
        %parallel_loop3A_87 = arith.index_cast %parallel_loop3A_54 : i32 to index
        %parallel_loop3A_88 = arith.constant 32 : index
        %parallel_loop3A_89 = tpu.vector_load %arg10[%parallel_loop3A_87, %parallel_loop3A_88] {strides = array<i32>} : memref<128x128xf32, #tpu.memory_space<vmem>>, vector<1x16xf32>,
        %parallel_loop3A_90 = vector.shape_cast %parallel_loop3A_89 : vector<1x16xf32> to vector<16xf32>
        %parallel_loop3A_91 = arith.addf %parallel_loop3A_86, %parallel_loop3A_90 : vector<16xf32>
        %parallel_loop3A_92 = arith.index_cast %parallel_loop3A_54 : i32 to index
        %parallel_loop3A_93 = arith.constant 32 : index
        %parallel_loop3A_94 = tpu.vector_load %arg13[%parallel_loop3A_92, %parallel_loop3A_93] {strides = array<i32>} : memref<128x128xf32, #tpu.memory_space<vmem>>, vector<1x16xf32>,
        %parallel_loop3A_95 = vector.shape_cast %parallel_loop3A_94 : vector<1x16xf32> to vector<16xf32>
        %parallel_loop3A_96 = vector.shape_cast %parallel_loop3A_91 : vector<16xf32> to vector<1x16xf32>
        tpu.vector_store %arg13[%parallel_loop3A_92, %parallel_loop3A_93], %parallel_loop3A_96 {strides = array<i32>} : memref<128x128xf32, #tpu.memory_space<vmem>>, vector<1x16xf32>,
        %parallel_loop3A_97 = arith.index_cast %parallel_loop3A_54 : i32 to index
        %parallel_loop3A_98 = arith.constant 48 : index
        %parallel_loop3A_99 = tpu.vector_load %arg9[%parallel_loop3A_97, %parallel_loop3A_98] {strides = array<i32>} : memref<128x128xf32, #tpu.memory_space<vmem>>, vector<1x16xf32>,
        %parallel_loop3A_100 = vector.shape_cast %parallel_loop3A_99 : vector<1x16xf32> to vector<16xf32>
        %parallel_loop3A_101 = arith.index_cast %parallel_loop3A_54 : i32 to index
        %parallel_loop3A_102 = arith.constant 48 : index
        %parallel_loop3A_103 = tpu.vector_load %arg10[%parallel_loop3A_101, %parallel_loop3A_102] {strides = array<i32>} : memref<128x128xf32, #tpu.memory_space<vmem>>, vector<1x16xf32>,
        %parallel_loop3A_104 = vector.shape_cast %parallel_loop3A_103 : vector<1x16xf32> to vector<16xf32>
        %parallel_loop3A_105 = arith.addf %parallel_loop3A_100, %parallel_loop3A_104 : vector<16xf32>
        %parallel_loop3A_106 = arith.index_cast %parallel_loop3A_54 : i32 to index
        %parallel_loop3A_107 = arith.constant 48 : index
        %parallel_loop3A_108 = tpu.vector_load %arg13[%parallel_loop3A_106, %parallel_loop3A_107] {strides = array<i32>} : memref<128x128xf32, #tpu.memory_space<vmem>>, vector<1x16xf32>,
        %parallel_loop3A_109 = vector.shape_cast %parallel_loop3A_108 : vector<1x16xf32> to vector<16xf32>
        %parallel_loop3A_110 = vector.shape_cast %parallel_loop3A_105 : vector<16xf32> to vector<1x16xf32>
        tpu.vector_store %arg13[%parallel_loop3A_106, %parallel_loop3A_107], %parallel_loop3A_110 {strides = array<i32>} : memref<128x128xf32, #tpu.memory_space<vmem>>, vector<1x16xf32>,
        %parallel_loop3A_111 = arith.index_cast %parallel_loop3A_54 : i32 to index
        %parallel_loop3A_112 = arith.constant 64 : index
        %parallel_loop3A_113 = tpu.vector_load %arg9[%parallel_loop3A_111, %parallel_loop3A_112] {strides = array<i32>} : memref<128x128xf32, #tpu.memory_space<vmem>>, vector<1x16xf32>,
        %parallel_loop3A_114 = vector.shape_cast %parallel_loop3A_113 : vector<1x16xf32> to vector<16xf32>
        %parallel_loop3A_115 = arith.index_cast %parallel_loop3A_54 : i32 to index
        %parallel_loop3A_116 = arith.constant 64 : index
        %parallel_loop3A_117 = tpu.vector_load %arg10[%parallel_loop3A_115, %parallel_loop3A_116] {strides = array<i32>} : memref<128x128xf32, #tpu.memory_space<vmem>>, vector<1x16xf32>,
        %parallel_loop3A_118 = vector.shape_cast %parallel_loop3A_117 : vector<1x16xf32> to vector<16xf32>
        %parallel_loop3A_119 = arith.addf %parallel_loop3A_114, %parallel_loop3A_118 : vector<16xf32>
        %parallel_loop3A_120 = arith.index_cast %parallel_loop3A_54 : i32 to index
        %parallel_loop3A_121 = arith.constant 64 : index
        %parallel_loop3A_122 = tpu.vector_load %arg13[%parallel_loop3A_120, %parallel_loop3A_121] {strides = array<i32>} : memref<128x128xf32, #tpu.memory_space<vmem>>, vector<1x16xf32>,
        %parallel_loop3A_123 = vector.shape_cast %parallel_loop3A_122 : vector<1x16xf32> to vector<16xf32>
        %parallel_loop3A_124 = vector.shape_cast %parallel_loop3A_119 : vector<16xf32> to vector<1x16xf32>
        tpu.vector_store %arg13[%parallel_loop3A_120, %parallel_loop3A_121], %parallel_loop3A_124 {strides = array<i32>} : memref<128x128xf32, #tpu.memory_space<vmem>>, vector<1x16xf32>,
        %parallel_loop3A_125 = arith.index_cast %parallel_loop3A_54 : i32 to index
        %parallel_loop3A_126 = arith.constant 80 : index
        %parallel_loop3A_127 = tpu.vector_load %arg9[%parallel_loop3A_125, %parallel_loop3A_126] {strides = array<i32>} : memref<128x128xf32, #tpu.memory_space<vmem>>, vector<1x16xf32>,
        %parallel_loop3A_128 = vector.shape_cast %parallel_loop3A_127 : vector<1x16xf32> to vector<16xf32>
        %parallel_loop3A_129 = arith.index_cast %parallel_loop3A_54 : i32 to index
        %parallel_loop3A_130 = arith.constant 80 : index
        %parallel_loop3A_131 = tpu.vector_load %arg10[%parallel_loop3A_129, %parallel_loop3A_130] {strides = array<i32>} : memref<128x128xf32, #tpu.memory_space<vmem>>, vector<1x16xf32>,
        %parallel_loop3A_132 = vector.shape_cast %parallel_loop3A_131 : vector<1x16xf32> to vector<16xf32>
        %parallel_loop3A_133 = arith.addf %parallel_loop3A_128, %parallel_loop3A_132 : vector<16xf32>
        %parallel_loop3A_134 = arith.index_cast %parallel_loop3A_54 : i32 to index
        %parallel_loop3A_135 = arith.constant 80 : index
        %parallel_loop3A_136 = tpu.vector_load %arg13[%parallel_loop3A_134, %parallel_loop3A_135] {strides = array<i32>} : memref<128x128xf32, #tpu.memory_space<vmem>>, vector<1x16xf32>,
        %parallel_loop3A_137 = vector.shape_cast %parallel_loop3A_136 : vector<1x16xf32> to vector<16xf32>
        %parallel_loop3A_138 = vector.shape_cast %parallel_loop3A_133 : vector<16xf32> to vector<1x16xf32>
        tpu.vector_store %arg13[%parallel_loop3A_134, %parallel_loop3A_135], %parallel_loop3A_138 {strides = array<i32>} : memref<128x128xf32, #tpu.memory_space<vmem>>, vector<1x16xf32>,
        %parallel_loop3A_139 = arith.index_cast %parallel_loop3A_54 : i32 to index
        %parallel_loop3A_140 = arith.constant 96 : index
        %parallel_loop3A_141 = tpu.vector_load %arg9[%parallel_loop3A_139, %parallel_loop3A_140] {strides = array<i32>} : memref<128x128xf32, #tpu.memory_space<vmem>>, vector<1x16xf32>,
        %parallel_loop3A_142 = vector.shape_cast %parallel_loop3A_141 : vector<1x16xf32> to vector<16xf32>
        %parallel_loop3A_143 = arith.index_cast %parallel_loop3A_54 : i32 to index
        %parallel_loop3A_144 = arith.constant 96 : index
        %parallel_loop3A_145 = tpu.vector_load %arg10[%parallel_loop3A_143, %parallel_loop3A_144] {strides = array<i32>} : memref<128x128xf32, #tpu.memory_space<vmem>>, vector<1x16xf32>,
        %parallel_loop3A_146 = vector.shape_cast %parallel_loop3A_145 : vector<1x16xf32> to vector<16xf32>
        %parallel_loop3A_147 = arith.addf %parallel_loop3A_142, %parallel_loop3A_146 : vector<16xf32>
        %parallel_loop3A_148 = arith.index_cast %parallel_loop3A_54 : i32 to index
        %parallel_loop3A_149 = arith.constant 96 : index
        %parallel_loop3A_150 = tpu.vector_load %arg13[%parallel_loop3A_148, %parallel_loop3A_149] {strides = array<i32>} : memref<128x128xf32, #tpu.memory_space<vmem>>, vector<1x16xf32>,
        %parallel_loop3A_151 = vector.shape_cast %parallel_loop3A_150 : vector<1x16xf32> to vector<16xf32>
        %parallel_loop3A_152 = vector.shape_cast %parallel_loop3A_147 : vector<16xf32> to vector<1x16xf32>
        tpu.vector_store %arg13[%parallel_loop3A_148, %parallel_loop3A_149], %parallel_loop3A_152 {strides = array<i32>} : memref<128x128xf32, #tpu.memory_space<vmem>>, vector<1x16xf32>,
        %parallel_loop3A_153 = arith.index_cast %parallel_loop3A_54 : i32 to index
        %parallel_loop3A_154 = arith.constant 112 : index
        %parallel_loop3A_155 = tpu.vector_load %arg9[%parallel_loop3A_153, %parallel_loop3A_154] {strides = array<i32>} : memref<128x128xf32, #tpu.memory_space<vmem>>, vector<1x16xf32>,
        %parallel_loop3A_156 = vector.shape_cast %parallel_loop3A_155 : vector<1x16xf32> to vector<16xf32>
        %parallel_loop3A_157 = arith.index_cast %parallel_loop3A_54 : i32 to index
        %parallel_loop3A_158 = arith.constant 112 : index
        %parallel_loop3A_159 = tpu.vector_load %arg10[%parallel_loop3A_157, %parallel_loop3A_158] {strides = array<i32>} : memref<128x128xf32, #tpu.memory_space<vmem>>, vector<1x16xf32>,
        %parallel_loop3A_160 = vector.shape_cast %parallel_loop3A_159 : vector<1x16xf32> to vector<16xf32>
        %parallel_loop3A_161 = arith.addf %parallel_loop3A_156, %parallel_loop3A_160 : vector<16xf32>
        %parallel_loop3A_162 = arith.index_cast %parallel_loop3A_54 : i32 to index
        %parallel_loop3A_163 = arith.constant 112 : index
        %parallel_loop3A_164 = tpu.vector_load %arg13[%parallel_loop3A_162, %parallel_loop3A_163] {strides = array<i32>} : memref<128x128xf32, #tpu.memory_space<vmem>>, vector<1x16xf32>,
        %parallel_loop3A_165 = vector.shape_cast %parallel_loop3A_164 : vector<1x16xf32> to vector<16xf32>
        %parallel_loop3A_166 = vector.shape_cast %parallel_loop3A_161 : vector<16xf32> to vector<1x16xf32>
        tpu.vector_store %arg13[%parallel_loop3A_162, %parallel_loop3A_163], %parallel_loop3A_166 {strides = array<i32>} : memref<128x128xf32, #tpu.memory_space<vmem>>, vector<1x16xf32>,
      } {sc.loop_unroll_factor = 1 : i64, sc.parallel_access}
      "tpu.region"() ({
        %run_scoped3A = tpu.sem_alloc : memref<!tpu.dma_semaphore, #tpu.memory_space<semaphore_mem>>
        %dma_start3A_54 = arith.constant 0 : i32
        %dma_start3A_55 = tpu.memref_slice %arg6[%mul3A_39, %dma_start3A_54] : memref<320000x128xf32, #tpu.memory_space<hbm>> -> memref<128x128xf32, #tpu.memory_space<hbm>>
        %dma_start3A_56 = arith.constant 0 : i32
        %dma_start3A_57 = tpu.memref_slice %arg6[%mul3A_39, %dma_start3A_56] : memref<320000x128xf32, #tpu.memory_space<hbm>> -> memref<128x128xf32, #tpu.memory_space<hbm>>
        tpu.enqueue_dma source(%arg13 : memref<128x128xf32, #tpu.memory_space<vmem>>) target(%dma_start3A_57 : memref<128x128xf32, #tpu.memory_space<hbm>>) target_semaphore(%run_scoped3A : memref<!tpu.dma_semaphore, #tpu.memory_space<semaphore_mem>>)
        %dma_wait3A_58 = arith.constant 0 : i32
        %dma_wait3A_59 = tpu.memref_slice %arg6[%mul3A_39, %dma_wait3A_58] : memref<320000x128xf32, #tpu.memory_space<hbm>> -> memref<128x128xf32, #tpu.memory_space<hbm>>
        %dma_wait3A_60 = arith.constant 0 : i32
        %dma_wait3A_61 = tpu.memref_slice %arg6[%mul3A_39, %dma_wait3A_60] : memref<320000x128xf32, #tpu.memory_space<hbm>> -> memref<128x128xf32, #tpu.memory_space<hbm>>
        tpu.wait_dma2 semaphore(%run_scoped3A : memref<!tpu.dma_semaphore, #tpu.memory_space<semaphore_mem>>) src(%arg13 : memref<128x128xf32, #tpu.memory_space<vmem>>) dst(%dma_wait3A_61 : memref<128x128xf32, #tpu.memory_space<hbm>>)
        tpu.yield
      }) : () -> ()
    } else {
    }
    return
  }
}

</mosaic_0001>

<sc_bundles>
// kernel: _gather_sum.3.cloned.1.call-start
scs
__scs_entry_jumppad:
0x0: {  	(pc) =	sbr.rel $0x88, $3  }
0x1: {  	(tag) =	ssettag $0x0;
	lr =	simm.s32 $0x1  }
0x2: {  	[smem:$0x3F9D] =	sst lr;
	_ =	strace $0xD0000000  }
0x3: {  	_ = 	snop  }
0x4: {  	_ = 	snop  }
0x5: {  	_ = 	snop  }
0x6: {  	_ = 	snop  }
0x7: {  	_ = 	snop  }
__scs_overlays_trampoline_lowered:
0x8: {  	[smem:$0x3FAC] =	sst s0  }
0x9: {  	[smem:$0x3FAD] =	sst s1  }
0xa: {  	[smem:$0x3FAE] =	sst s2  }
0xb: {  	[smem:$0x3FAF] =	sst s3  }
0xc: {  	[smem:$0x3FB0] =	sst s4  }
0xd: {  	[smem:$0x3FB1] =	sst s5  }
0xe: {  	[smem:$0x3FB2] =	sst s6  }
0xf: {  	[smem:$0x3FB3] =	sst s7  }
0x10: {  	[smem:$0x3FB4] =	sst s8  }
0x11: {  	[smem:$0x3FB5] =	sst s9;
	s0 =	simm.s32 @!p0 $0x0  }
0x12: {  	s1 =	sld [smem:$0x3F9B];
	s0 =	simm.s32 @p0 $0x1  }
0x13: {  	[smem:$0x3FB6] =	sst s0;
	s0 =	simm.s32 @!p1 $0x0  }
0x14: {  	s2 =	sld [smem:$0x3F9A];
	s0 =	simm.s32 @p1 $0x1  }
0x15: {  	[smem:$0x3FB7] =	sst s0;
	s0 =	simm.s32 @!p2 $0x0  }
0x16: {  	s3 =	sld [smem:$0x3FDB];
	s0 =	simm.s32 @p2 $0x1  }
0x17: {  	s4 =	simm.s32 $0x1BF5;
	[smem:$0x3FB9] =	sst s0  }
0x18: {  	s0 =	sld [smem:$0x3F9C];
	_ =	swait.ge [sflag:s4], $0x0  }
0x19: {  	s7 =	sld [smem:$0x3F9D]  }
0x1a: {  	s8 =	sadd.s32 $0xFFFFE003, lr  }
0x1b: {  	s9 =	sadd.s32 $0xFFFFFEF7, lr;
	s5 =	simm.s32 $0xFFFFFFFF;
	p2 =	slt.u32 s8, $0xFFFFF086  }
0x1c: {  	p1 =	slt.u32 s9, $0xF7A;
	s5 =	simm.s32 @!p2 $0x0  }
0x1d: {  	s5 =	simm.s32 @p1 $0x1;
	p0 =	seq.s32 s7, s2  }
0x1e: {  	s7 =	smul.u32 @!p0 $0xF7A, s2;
	p2 =	seq.s32 @!p0 s5, $0x0  }
0x1f: {  	s9 =	smul.u32 $0xF7A, s1;
	s8 =	simm.s32 @!p0 $0x1BF5;
	p2 =	por !p2, p0  }
0x20: {  	[sflag:s8] =	ssyncset.s32 @!p0 $0xFFFFF086;
	s6 =	sadd.s32 @!p0 s3, s7;
	s7 =	simm.s32 @!p0 $0x108  }
0x21: {  	s3 =	sadd.s32 s3, s9;
	s6 =	sadd.s32 @!p0 $0x88, s6;
	s7 =	simm.s32 @p2 $0x1082  }
0x22: {  	[simem:s7], [sflag:s8] =	dma.local @!p0 [hbm:s6], $0xF7A  }
0x23: {  	s9 =	sor.u32 $0xD0000000, s2;
	s6 =	simm.s32 $0x108;
	_ =	swait.ge @!p0 [sflag:s8], $0x0  }
0x24: {  	s3 =	sadd.s32 $0x88, s3;
	s6 =	simm.s32 @!p1 $0x1082;
	[sflag:s4] =	ssyncset.s32 $0xFFFFF086  }
0x25: {  	[simem:s6], [sflag:s4] =	dma.local [hbm:s3], $0xF7A  }
0x26: {  	[smem:$0x3F9D] =	sst s1;
	(tag) =	ssettag s2;
	_ =	strace s9  }
0x27: {  	s1 =	sld [smem:$0x3FAD]  }
0x28: {  	s2 =	sld [smem:$0x3FAE]  }
0x29: {  	s4 =	sld [smem:$0x3FB0]  }
0x2a: {  	p0 =	seq.s32 s5, $0x0;
	s5 =	sld [smem:$0x3FB1]  }
0x2b: {  	s6 =	sld [smem:$0x3FB2]  }
0x2c: {  	s7 =	sld [smem:$0x3FB3]  }
0x2d: {  	s3 =	simm.s32 $0x108;
	s8 =	sld [smem:$0x3FB4]  }
0x2e: {  	s3 =	simm.s32 @!p0 $0x1082;
	s9 =	sld [smem:$0x3FB5]  }
0x2f: {  	lr =	sadd.s32 s0, s3;
	s0 =	sld [smem:$0x3FAC]  }
0x30: {  	s3 =	sld [smem:$0x3FAF]  }
0x31: {  	[smem:$0x3FB8] =	sst s10  }
0x32: {  	s10 =	sld [smem:$0x3FB6];
	_ =	sdelay $0x3  }
0x33: {  	p0 =	seq.s32 s10, $0x1;
	s10 =	sld [smem:$0x3FB8];
	_ =	sdelay $0x3  }
0x34: {  	[smem:$0x3FB8] =	sst s10  }
0x35: {  	s10 =	sld [smem:$0x3FB7];
	_ =	sdelay $0x3  }
0x36: {  	p1 =	seq.s32 s10, $0x1;
	s10 =	sld [smem:$0x3FB8];
	_ =	sdelay $0x3  }
0x37: {  	[smem:$0x3FB8] =	sst s10  }
0x38: {  	s10 =	sld [smem:$0x3FB9]  }
0x39: {  	_ = 	snop;
	(pc) =	sbr.ind lr, $3  }
0x3a: {  	_ = 	snop  }
0x3b: {  	_ = 	snop  }
0x3c: {  	p2 =	seq.s32 s10, $0x1;
	s10 =	sld [smem:$0x3FB8]  }
0x3d: {  	_ =	shalt  }
0x3e: {  	_ =	shalt  }
0x3f: {  	_ =	shalt  }
0x40: {  	_ =	shalt  }
0x41: {  	_ =	shalt  }
0x42: {  	_ =	shalt  }
0x43: {  	_ =	shalt  }
0x44: {  	_ =	shalt  }
0x45: {  	_ =	shalt  }
0x46: {  	_ =	shalt  }
0x47: {  	_ =	shalt  }
0x48: {  	_ =	shalt  }
0x49: {  	_ =	shalt  }
0x4a: {  	_ =	shalt  }
0x4b: {  	_ =	shalt  }
0x4c: {  	_ =	shalt  }
0x4d: {  	_ =	shalt  }
0x4e: {  	_ =	shalt  }
0x4f: {  	_ =	shalt  }
0x50: {  	_ =	shalt  }
0x51: {  	_ =	shalt  }
0x52: {  	_ =	shalt  }
0x53: {  	_ =	shalt  }
0x54: {  	_ =	shalt  }
0x55: {  	_ =	shalt  }
0x56: {  	_ =	shalt  }
0x57: {  	_ =	shalt  }
0x58: {  	_ =	shalt  }
0x59: {  	_ =	shalt  }
0x5a: {  	_ =	shalt  }
0x5b: {  	_ =	shalt  }
0x5c: {  	_ =	shalt  }
0x5d: {  	_ =	shalt  }
0x5e: {  	_ =	shalt  }
0x5f: {  	_ =	shalt  }
0x60: {  	_ =	shalt  }
0x61: {  	_ =	shalt  }
0x62: {  	_ =	shalt  }
0x63: {  	_ =	shalt  }
0x64: {  	_ =	shalt  }
0x65: {  	_ =	shalt  }
0x66: {  	_ =	shalt  }
0x67: {  	_ =	shalt  }
0x68: {  	_ =	shalt  }
0x69: {  	_ =	shalt  }
0x6a: {  	_ =	shalt  }
0x6b: {  	_ =	shalt  }
0x6c: {  	_ =	shalt  }
0x6d: {  	_ =	shalt  }
0x6e: {  	_ =	shalt  }
0x6f: {  	_ =	shalt  }
0x70: {  	_ =	shalt  }
0x71: {  	_ =	shalt  }
0x72: {  	_ =	shalt  }
0x73: {  	_ =	shalt  }
0x74: {  	_ =	shalt  }
0x75: {  	_ =	shalt  }
0x76: {  	_ =	shalt  }
0x77: {  	_ =	shalt  }
0x78: {  	_ =	shalt  }
0x79: {  	_ =	shalt  }
0x7a: {  	_ =	shalt  }
0x7b: {  	_ =	shalt  }
0x7c: {  	_ =	shalt  }
0x7d: {  	_ =	shalt  }
0x7e: {  	_ =	shalt  }
0x7f: {  	_ =	shalt  }
0x80: {  	_ =	shalt  }
0x81: {  	_ =	shalt  }
0x82: {  	_ =	shalt  }
0x83: {  	_ =	shalt  }
0x84: {  	_ =	shalt  }
0x85: {  	_ =	shalt  }
0x86: {  	_ =	shalt  }
0x87: {  	_ =	shalt  }
.Lfunc_end0:
.L_simem_size_0:
called_computation_lowered:
.L_overlay_start_0:
0x88: {  	s2 =	sld [smem:$0x3FD9]  }
0x89: {  	s3 =	sld [smem:$0x3FFE];
	_ =	sdelay $0x1  }
0x8a: {  	s1 =	srdreg.scid  }
0x8b: {  	s0 =	sand.u32 $0x1, s1  }
0x8c: {  	s18 =	sshll.u32 s0, $0xA;
	s2 =	sadd.s32 s3, s2  }
0x8d: {  	s2 =	sadd.s32 s2, s18  }
0x8e: {  	[smem:$0x3FC4] =	sst s2  }
0x8f: {  	_ = 	snop  }
0x90: {  	s2 =	sld [smem:$0x3FC9]  }
0x91: {  	s19 =	sld [smem:$0x3FC8]  }
0x92: {  	s4 =	sld [smem:$0x3FC7]  }
0x93: {  	s5 =	sld [smem:$0x3FC6]  }
0x94: {  	s6 =	sld [smem:$0x3FD0];
	(tm) =	ssettm $0x1  }
0x95: {  	s7 =	sld [smem:$0x3FFB];
	_ =	sdelay $0x3  }
0x96: {  	_ =	strace s7  }
0x97: {  	s7 =	sld [smem:$0x3FFC];
	_ =	sdelay $0x3  }
0x98: {  	_ =	strace s7  }
0x99: {  	s7 =	sld [smem:$0x3FFD];
	_ =	sdelay $0x3  }
0x9a: {  	_ =	strace s7  }
0x9b: {  	_ =	strace $0x8FFFFFFF  }
0x9c: {  	s20 =	sld [smem:$0x3FDB];
	_ =	sdelay $0x1  }
0x9d: {  	s8 =	simm.s32 $_scs_section_size  }
0x9e: {  	s9 =	simm.s32 $_size__tile_overlayer_lowered;
	s10 =	simm.s32 $_tile_overlayer_lowered  }
0x9f: {  	s23 =	simm.s32 $0x1BFF;
	s22 =	sshll.u32 s10, $0x1;
	s7 =	sadd.s32 s8, s20  }
0xa0: {  	s11 =	simm.s32 $0x0;
	s21 =	sshll.u32 s9, $0x1;
	s9 =	sadd.s32 s22, s7  }
0xa1: {  	[timem:s11], [sflag:s23] =	dma.local [hbm:s9], s21  }
0xa2: {  	_ =	swait.ge [sflag:s23], s21  }
0xa3: {  	s8 =	ssub.s32 $0x0, s21;
	[sflag:s23] =	ssyncset.done $0x0  }
0xa4: {  	[sflag:s23] =	ssyncadd.s32 s8;
	_ =	sdelay $0x1  }
0xa5: {  	s24 =	simm.s32 $0x1B8B  }
0xa6: {  	_ =	swait.ge [sflag:s24], $0x1  }
0xa7: {  	[sflag:s24] =	ssyncset.done $0x0  }
0xa8: {  	s25 =	simm.s32 $0x1B8E;
	[sflag:s24] =	ssyncadd.s32 $0xFFFFFFFF  }
0xa9: {  	s26 =	simm.s32 $execute0_lowered;
	[smem:$0x3FD2] =	sst s25  }
0xaa: {  	s8 =	sshll.u32 s26, $0x1;
	_ =	strace $0x80000046;
	[dreg:$0x1] =	wrdreg $0xFFFFFFFF  }
0xab: {  	s28 =	simm.s32 $_size_execute0_lowered;
	s7 =	sadd.s32 s7, s8;
	[dreg:$0x0] =	wrdreg $0x0  }
0xac: {  	s8 =	sshll.u32 s28, $0x1;
	[dreg:$0x2] =	wrdreg s7  }
0xad: {  	[dreg:$0x3] =	wrdreg s8  }
0xae: {  	[dreg:$0x4] =	wrdreg $0xC0  }
0xaf: {  	_ =	task [dreg:s11], $0x5FFFF  }
0xb0: {  	[dreg:$0x1] =	wrdreg $0xFFFFFFFF  }
0xb1: {  	[dreg:$0x0] =	wrdreg $0x60  }
0xb2: {  	[dreg:$0x2] =	wrdreg s2  }
0xb3: {  	[dreg:$0x3] =	wrdreg s19  }
0xb4: {  	[dreg:$0x4] =	wrdreg s4  }
0xb5: {  	[dreg:$0x5] =	wrdreg s5  }
0xb6: {  	[dreg:$0x6] =	wrdreg s6  }
0xb7: {  	[dreg:$0x7] =	wrdreg $0x9  }
0xb8: {  	_ =	task.clear_ibuf [dreg:s11], $0x8FFFF;
	_ =	strace $0x90000046  }
0xb9: {  	s29 =	simm.s32 $0x9;
	_ =	strace $0x80000048  }
0xba: {  	_ =	swait.ge [sflag:s29], $0x1  }
0xbb: {  	[sflag:s29] =	ssyncadd.s32 $0xFFFFFFFF  }
0xbc: {  	_ =	strace $0x90000048  }
0xbd: {  	_ =	sfence  }
0xbe: {  	s30 =	sld [smem:$0x0];
	_ =	sdelay $0x2  }
0xbf: {  	s31 =	sshll.u32 s1, $0xD;
	s1 =	sshrl.u32 s1, $0x2  }
0xc0: {  	s3 =	sand.u32 $0x4000, s31;
	s1 =	sadd.s32 s1, s30  }
0xc1: {  	s0 =	sor.u32 s3, s0;
	s1 =	sshll.u32 s1, $0x11  }
0xc2: {  	s0 =	sor.u32 s1, s0  }
0xc3: {  	s0 =	sadd.s32 $0x8F2B, s0  }
0xc4: {  	[sflag:s0] =	ssyncadd.remote.s32 $0x1  }
0xc5: {  	_ =	sfence.sel $0xFFFF  }
0xc6: {  	[dreg:$0x0] =	wrdreg $0xFFFFFFFF;
	(pc) =	sbr.abs _section_cstart, $3  }
0xc7: {  	[dreg:$0x1] =	wrdreg $0xFFFFFFFF  }
0xc8: {  	_ =	task.clear_ibuf [dreg:s11], $0x2FFFF;
	_ =	strace $0x9FFFFFFF  }
0xc9: {  	(tm) =	ssettm $0x7FFFFFFF  }
tec
execute0_lowered:
.L_overlay_start_1:
0x0: {  	(tag) =	ssettag $0x1  }
0x1: {  	s0 =	rddreg [dreg:$0x0]  }
0x2: {  	s1 =	rddreg [dreg:$0x1]  }
0x3: {  	s3 =	rddreg [dreg:$0x2]  }
0x4: {  	s2 =	srdreg.scid;
	s9 =	rddreg [dreg:$0x3]  }
0x5: {  	s6 =	stileid.u32;
	s4 =	rddreg [dreg:$0x4];
	s13 =	simm.s32 $0x5  }
0x6: {  	s14 =	simm.s32 $0x2700;
	s15 =	simm.s32 $0x80;
	s16 =	simm.s32 $0x4E00  }
0x7: {  	s17 =	simm.s32 $0x8E00;
	s18 =	simm.s32 $0xCE00;
	s19 =	simm.s32 $0x10E00  }
0x8: {  	s20 =	simm.s32 $0x1;
	s21 =	simm.s32 $0x14E00;
	s2 =	sand.u32 $0x1, s2  }
0x9: {  	s22 =	simm.s32 $0x2;
	s23 =	simm.s32 $0x18E00;
	s5 =	sshll.u32 s2, $0x4  }
0xa: {  	s24 =	simm.s32 $0x3;
	s25 =	simm.s32 $0x4;
	s10 =	sor.u32 s6, s5  }
0xb: {  	s26 =	simm.s32 $0x1CE00;
	s28 =	simm.s32 $0x1CE80;
	s6 =	smul.u32 $0x4E, s10  }
0xc: {  	s29 =	simm.s32 $0x0;
	s2 =	ssub.s32 $0x2, s2;
	s7 =	smin.u32 s10, $0x4  }
0xd: {  	s5 =	simm.s32 $0x0;
	s30 =	sshrl.u32 s2, $0x1;
	s6 =	sadd.s32 s7, s6  }
0xe: {  	[smem:$0x7FF] =	sst s5;
	s2 =	ssub.s32 s2, s30;
	s11 =	sshll.u32 s6, $0x7  }
.Ltmp0:
0xf: {  	p0 =	sgt.u32 s10, $0x3;
	s11 =	sadd.s32 $0x2700, s11;
	(pc) =	sbr.rel .LBB2_1-.Ltmp0, $4  }
0x10: {  	_ =	strace $0x80000047;
	s8 =	sshll.u32 s6, $0x4;
	s12 =	sshrl.u32 s11, $0x3  }
0x11: {  	s7 =	sadd.s32 s3, s8;
	s8 =	sadd.s32 s9, s8;
	s3 =	sadd.s32 s3, s12  }
0x12: {  	s11 =	sshll.u32 s11, $0x4;
	s31 =	sadd.s32 s9, s12;
	[dreg:$0x6] =	wrdreg s3  }
0x13: {  	s11 =	sadd.s32 s4, s11;
	s12 =	smax.u32 s2, $0x1;
	[dreg:$0x7] =	wrdreg s31  }
.LBB2_11:
0x14: {  	s29 =	sadd.s32 $0x1, s29  }
0x15: {  	p1 =	sne.s32 s29, s12  }
.Ltmp1:
0x16: {  	_ = 	snop;
	(pc) =	sbr.rel @!p1 .LBB2_12-.Ltmp1, $1  }
0x17: {  	_ =	sdelay $0x3  }
.LBB2_1:
0x18: {  	[tilespmem:s5], [sflag:$0x5] =	stream.linear.gather [hbm4b:s7+s5], $0x2700, $0x38;
	[tilespmem:$0x1CF00] =	vst v63  }
0x19: {  	_ =	swait.ge [sflag:s13], $0x2700  }
0x1a: {  	[sflag:s13] =	ssyncset.done $0x0  }
0x1b: {  	[sflag:s13] =	ssyncadd.s32 $0xFFFFD900  }
0x1c: {  	[tilespmem:s14], [sflag:$0x5] =	stream.linear.gather [hbm4b:s8+s5], $0x2700, $0x38;
	[tilespmem:$0x1CF00] =	vst v63  }
0x1d: {  	_ =	swait.ge [sflag:s13], $0x2700  }
0x1e: {  	[sflag:s13] =	ssyncset.done $0x0  }
0x1f: {  	[sflag:s13] =	ssyncadd.s32 $0xFFFFD900  }
0x20: {  	[tilespmem:s16], [sflag:$0x1] =	stream.indirect.gather [hbm4b:s0+s15], $0x80, s5, s15, $0xb8;
	[tilespmem:$0x1CF00] =	vst v63  }
0x21: {  	s30 =	simm.s32 $0x0  }
0x22: {  	[tilespmem:s17], [sflag:$0x1] =	stream.indirect.gather [hbm4b:s1+s15], $0x80, s14, s15, $0xb8;
	[tilespmem:$0x1CF00] =	vst v63  }
.LBB2_2:
0x23: {  	s31 =	sshllo.u32 s30, $0x1  }
0x24: {  	s2 =	sshll.u32 s31, $0x7  }
0x25: {  	[tilespmem:s18], [sflag:$0x2] =	stream.indirect.gather [hbm4b:s0+s15], $0x80, s2, s15, $0xb8;
	[tilespmem:$0x1CF00] =	vst v63  }
0x26: {  	s2 =	sadd.s32 $0x2700, s2  }
0x27: {  	[tilespmem:s19], [sflag:$0x2] =	stream.indirect.gather [hbm4b:s1+s15], $0x80, s2, s15, $0xb8;
	[tilespmem:$0x1CF00] =	vst v63  }
0x28: {  	_ =	swait.ge [sflag:s20], $0x4000  }
0x29: {  	[sflag:s20] =	ssyncset.done $0x0  }
0x2a: {  	[sflag:s20] =	ssyncadd.s32 $0xFFFFC000  }
0x2b: {  	_ =	swait.ge [sflag:s20], $0x4000  }
0x2c: {  	p1 =	seq.s32 s30, $0x0;
	[sflag:s20] =	ssyncset.done $0x0  }
0x2d: {  	s2 =	simm.s32 @!p1 $0x3;
	[sflag:s20] =	ssyncadd.s32 $0xFFFFC000  }
0x2e: {  	_ =	swait.ge @!p1 [sflag:s2], $0x4000  }
0x2f: {  	[sflag:s2] =	ssyncset.done @!p1 $0x0  }
0x30: {  	s3 =	simm.s32 $0x0;
	[sflag:s2] =	ssyncadd.s32 @!p1 $0xFFFFC000  }
0x31: {  	v0 =	vld [tilespmem:s3+$0x4E70]  }
0x32: {  	v1 =	vld [tilespmem:s3+$0x8E70]  }
0x33: {  	v2 =	vld [tilespmem:s3+$0x4E00]  }
0x34: {  	v3 =	vld [tilespmem:s3+$0x8E00]  }
0x35: {  	v4 =	vld [tilespmem:s3+$0x4E10]  }
0x36: {  	v5 =	vld [tilespmem:s3+$0x8E10]  }
0x37: {  	v6 =	vld [tilespmem:s3+$0x4E20]  }
0x38: {  	v7 =	vld [tilespmem:s3+$0x4E30]  }
0x39: {  	v0 =	vadd.f32 v1, v0;
	v1 =	vld [tilespmem:s3+$0x8E20]  }
0x3a: {  	v2 =	vadd.f32 v3, v2;
	v3 =	vld [tilespmem:s3+$0x8E30]  }
0x3b: {  	v8 =	vld [tilespmem:s3+$0x8E40]  }
0x3c: {  	[tilespmem:s3+$0x14E70] =	vst v0;
	v0 =	vadd.f32 v5, v4;
	v4 =	vld [tilespmem:s3+$0x4E40]  }
0x3d: {  	[tilespmem:s3+$0x14E00] =	vst v2;
	v2 =	vld [tilespmem:s3+$0x8E50]  }
0x3e: {  	[tilespmem:s3+$0x14E10] =	vst v0;
	v0 =	vld [tilespmem:s3+$0x4E50];
	v1 =	vadd.f32 v1, v6  }
0x3f: {  	v6 =	vadd.f32 v3, v7;
	v3 =	vld [tilespmem:s3+$0x8E60]  }
0x40: {  	s9 =	simm.s32 $0x80;
	[tilespmem:s3+$0x14E20] =	vst v1;
	v1 =	vld [tilespmem:s3+$0x4E60]  }
0x41: {  	s10 =	simm.s32 $0x400;
	s2 =	sshll.u32 s30, $0x1;
	v5 =	vld [tilespmem:s9+$0x4E70];
	[tilespmem:s3+$0x14E30] =	vst v6;
	v4 =	vadd.f32 v8, v4  }
.LBB2_3:
0x42: {  	p2 =	sne.s32 s10, $0xFE00;
	v6 =	vld [tilespmem:s9+$0x8E70]  }
0x43: {  	v7 =	vld [tilespmem:s9+$0x4E00];
	[tilespmem:s3+$0x14E40] =	vst v4;
	v0 =	vadd.f32 v2, v0  }
0x44: {  	v2 =	vld [tilespmem:s9+$0x8E00]  }
0x45: {  	v4 =	vld [tilespmem:s9+$0x4E10];
	[tilespmem:s3+$0x14E50] =	vst v0;
	v0 =	vadd.f32 v3, v1  }
0x46: {  	v1 =	vld [tilespmem:s9+$0x8E10]  }
0x47: {  	v3 =	vld [tilespmem:s9+$0x4E20];
	v5 =	vadd.f32 v6, v5;
	[tilespmem:s3+$0x14E60] =	vst v0;
	s3 =	smov.u32 s9  }
0x48: {  	v0 =	vld [tilespmem:s3+$0x8E20]  }
0x49: {  	v2 =	vadd.f32 v2, v7;
	v6 =	vld [tilespmem:s3+$0x4E30];
	[tilespmem:s3+$0x14E70] =	vst v5  }
0x4a: {  	v5 =	vld [tilespmem:s3+$0x8E30]  }
0x4b: {  	[tilespmem:s3+$0x14E00] =	vst v2;
	v1 =	vadd.f32 v1, v4;
	v4 =	vld [tilespmem:s3+$0x4E40]  }
0x4c: {  	v7 =	vld [tilespmem:s3+$0x8E40]  }
.Ltmp2:
0x4d: {  	[tilespmem:s3+$0x14E10] =	vst v1;
	v1 =	vadd.f32 v0, v3;
	v0 =	vld [tilespmem:s3+$0x4E50];
	(pc) =	sbr.rel @p2 .LBB2_3-.Ltmp2, $4  }
0x4e: {  	v2 =	vld [tilespmem:s3+$0x8E50]  }
0x4f: {  	[tilespmem:s3+$0x14E20] =	vst v1;
	v6 =	vadd.f32 v5, v6;
	v1 =	vld [tilespmem:s3+$0x4E60]  }
0x50: {  	s9 =	sshra.s32 s10, $0x2;
	v3 =	vld [tilespmem:s3+$0x8E60]  }
0x51: {  	s10 =	sadd.s32 $0x200, s10;
	v5 =	vld [tilespmem:s9+$0x4E70];
	[tilespmem:s3+$0x14E30] =	vst v6;
	v4 =	vadd.f32 v7, v4  }
0x52: {  	v6 =	vld [tilespmem:s9+$0x8E70]  }
0x53: {  	v7 =	vld [tilespmem:s9+$0x4E00]  }
0x54: {  	v8 =	vld [tilespmem:s9+$0x8E00]  }
0x55: {  	v9 =	vld [tilespmem:s9+$0x4E10]  }
0x56: {  	v10 =	vld [tilespmem:s9+$0x8E10]  }
0x57: {  	v11 =	vld [tilespmem:s9+$0x4E20]  }
0x58: {  	v12 =	vld [tilespmem:s9+$0x4E30]  }
0x59: {  	v5 =	vadd.f32 v6, v5;
	v6 =	vld [tilespmem:s9+$0x8E20]  }
0x5a: {  	v60 =	vld [tilespmem:s9+$0x4E40]  }
0x5b: {  	v61 =	vld [tilespmem:s9+$0x8E40];
	v7 =	vadd.f32 v8, v7  }
0x5c: {  	v62 =	vld [tilespmem:s9+$0x8E50];
	[tilespmem:s9+$0x14E70] =	vst v5  }
0x5d: {  	v5 =	vld [tilespmem:s9+$0x8E30];
	[tilespmem:s9+$0x14E00] =	vst v7;
	v7 =	vadd.f32 v10, v9  }
0x5e: {  	v0 =	vadd.f32 v2, v0;
	v2 =	vld [tilespmem:s9+$0x8E60];
	v6 =	vadd.f32 v6, v11  }
0x5f: {  	[tilespmem:s9+$0x14E10] =	vst v7;
	v7 =	vld [tilespmem:s9+$0x4E50]  }
0x60: {  	[tilespmem:s9+$0x14E20] =	vst v6;
	v6 =	vld [tilespmem:s9+$0x4E60]  }
0x61: {  	[tilespmem:s3+$0x14E40] =	vst v4;
	v1 =	vadd.f32 v3, v1  }
0x62: {  	[tilespmem:s3+$0x14E50] =	vst v0;
	v0 =	vadd.f32 v5, v12  }
0x63: {  	[tilespmem:s3+$0x14E60] =	vst v1;
	v1 =	vadd.f32 v61, v60  }
0x64: {  	s2 =	sadd.s32 s6, s2;
	[tilespmem:s9+$0x14E30] =	vst v0;
	v0 =	vadd.f32 v62, v7  }
0x65: {  	s2 =	sshll.u32 s2, $0xB;
	[tilespmem:s9+$0x14E40] =	vst v1;
	v1 =	vadd.f32 v2, v6  }
0x66: {  	s2 =	sand.u32 $0x1FFFF800, s2;
	[tilespmem:s9+$0x14E50] =	vst v0  }
0x67: {  	p2 =	seq.s32 s30, $0x26;
	s2 =	sadd.s32 s4, s2;
	[tilespmem:s9+$0x14E60] =	vst v1  }
0x68: {  	[hbm4b:s2+s5] =	stream.linear.scatter [tilespmem:s21], [sflag:$0x3], $0x4000, $0x38;
	[tilespmem:$0x1CF00] =	vst v63  }
0x69: {  	s2 =	sshll.u32 @!p2 s30, $0x8  }
0x6a: {  	s10 =	simm.s32 @!p2 $0x4E00;
	s9 =	simm.s32 @!p2 $0x80;
	s3 =	sadd.s32 @!p2 $0x100, s2  }
0x6b: {  	[tilespmem:s10], [sflag:$0x1] =	stream.indirect.gather @!p2 [hbm4b:s0+s9], $0x80, s3, s9, $0xb8;
	[tilespmem:$0x1CF00] =	vst v63  }
0x6c: {  	s2 =	sadd.s32 @!p2 $0x2800, s2;
	s3 =	simm.s32 @!p2 $0x8E00  }
0x6d: {  	[tilespmem:s3], [sflag:$0x1] =	stream.indirect.gather @!p2 [hbm4b:s1+s9], $0x80, s2, s9, $0xb8;
	[tilespmem:$0x1CF00] =	vst v63  }
0x6e: {  	_ =	swait.ge [sflag:s22], $0x4000  }
0x6f: {  	[sflag:s22] =	ssyncset.done $0x0  }
0x70: {  	[sflag:s22] =	ssyncadd.s32 $0xFFFFC000  }
0x71: {  	_ =	swait.ge [sflag:s22], $0x4000  }
0x72: {  	[sflag:s22] =	ssyncset.done $0x0  }
0x73: {  	s2 =	simm.s32 @!p1 $0x4;
	[sflag:s22] =	ssyncadd.s32 $0xFFFFC000  }
0x74: {  	_ =	swait.ge @!p1 [sflag:s2], $0x4000  }
0x75: {  	[sflag:s2] =	ssyncset.done @!p1 $0x0  }
0x76: {  	s3 =	simm.s32 $0x0;
	[sflag:s2] =	ssyncadd.s32 @!p1 $0xFFFFC000  }
0x77: {  	v0 =	vld [tilespmem:s3+$0xCE70]  }
0x78: {  	v1 =	vld [tilespmem:s3+$0x10E70]  }
0x79: {  	v2 =	vld [tilespmem:s3+$0xCE00]  }
0x7a: {  	v3 =	vld [tilespmem:s3+$0x10E00]  }
0x7b: {  	v4 =	vld [tilespmem:s3+$0xCE10]  }
0x7c: {  	v5 =	vld [tilespmem:s3+$0x10E10]  }
0x7d: {  	v6 =	vld [tilespmem:s3+$0xCE20]  }
0x7e: {  	v7 =	vld [tilespmem:s3+$0xCE30]  }
0x7f: {  	v0 =	vadd.f32 v1, v0;
	v1 =	vld [tilespmem:s3+$0x10E20]  }
0x80: {  	v2 =	vadd.f32 v3, v2;
	v3 =	vld [tilespmem:s3+$0x10E30]  }
0x81: {  	v63 =	vld [tilespmem:s3+$0x10E40]  }
0x82: {  	[tilespmem:s3+$0x18E70] =	vst v0;
	v0 =	vadd.f32 v5, v4;
	v4 =	vld [tilespmem:s3+$0xCE40]  }
0x83: {  	[tilespmem:s3+$0x18E00] =	vst v2;
	v2 =	vld [tilespmem:s3+$0x10E50]  }
0x84: {  	[tilespmem:s3+$0x18E10] =	vst v0;
	v0 =	vld [tilespmem:s3+$0xCE50];
	v1 =	vadd.f32 v1, v6  }
0x85: {  	v6 =	vadd.f32 v3, v7;
	v3 =	vld [tilespmem:s3+$0x10E60]  }
0x86: {  	s2 =	simm.s32 $0x80;
	[tilespmem:s3+$0x18E20] =	vst v1;
	v1 =	vld [tilespmem:s3+$0xCE60]  }
0x87: {  	s9 =	simm.s32 $0x400;
	v5 =	vld [tilespmem:s2+$0xCE70];
	[tilespmem:s3+$0x18E30] =	vst v6;
	v4 =	vadd.f32 v63, v4  }
.LBB2_5:
0x88: {  	p1 =	sne.s32 s9, $0xFE00;
	v6 =	vld [tilespmem:s2+$0x10E70]  }
0x89: {  	v7 =	vld [tilespmem:s2+$0xCE00];
	[tilespmem:s3+$0x18E40] =	vst v4;
	v0 =	vadd.f32 v2, v0  }
0x8a: {  	v2 =	vld [tilespmem:s2+$0x10E00]  }
0x8b: {  	v4 =	vld [tilespmem:s2+$0xCE10];
	[tilespmem:s3+$0x18E50] =	vst v0;
	v0 =	vadd.f32 v3, v1  }
0x8c: {  	v1 =	vld [tilespmem:s2+$0x10E10]  }
0x8d: {  	v3 =	vld [tilespmem:s2+$0xCE20];
	v5 =	vadd.f32 v6, v5;
	[tilespmem:s3+$0x18E60] =	vst v0;
	s3 =	smov.u32 s2  }
0x8e: {  	v0 =	vld [tilespmem:s3+$0x10E20]  }
0x8f: {  	v2 =	vadd.f32 v2, v7;
	v6 =	vld [tilespmem:s3+$0xCE30];
	[tilespmem:s3+$0x18E70] =	vst v5  }
0x90: {  	v5 =	vld [tilespmem:s3+$0x10E30]  }
0x91: {  	[tilespmem:s3+$0x18E00] =	vst v2;
	v1 =	vadd.f32 v1, v4;
	v4 =	vld [tilespmem:s3+$0xCE40]  }
0x92: {  	v7 =	vld [tilespmem:s3+$0x10E40]  }
.Ltmp3:
0x93: {  	[tilespmem:s3+$0x18E10] =	vst v1;
	v1 =	vadd.f32 v0, v3;
	v0 =	vld [tilespmem:s3+$0xCE50];
	(pc) =	sbr.rel @p1 .LBB2_5-.Ltmp3, $4  }
0x94: {  	v2 =	vld [tilespmem:s3+$0x10E50]  }
0x95: {  	[tilespmem:s3+$0x18E20] =	vst v1;
	v6 =	vadd.f32 v5, v6;
	v1 =	vld [tilespmem:s3+$0xCE60]  }
0x96: {  	s2 =	sshra.s32 s9, $0x2;
	v3 =	vld [tilespmem:s3+$0x10E60]  }
0x97: {  	s9 =	sadd.s32 $0x200, s9;
	v5 =	vld [tilespmem:s2+$0xCE70];
	[tilespmem:s3+$0x18E30] =	vst v6;
	v4 =	vadd.f32 v7, v4  }
0x98: {  	v6 =	vld [tilespmem:s2+$0x10E70]  }
0x99: {  	v7 =	vld [tilespmem:s2+$0xCE00]  }
0x9a: {  	v8 =	vld [tilespmem:s2+$0x10E00]  }
0x9b: {  	v9 =	vld [tilespmem:s2+$0xCE10]  }
0x9c: {  	v10 =	vld [tilespmem:s2+$0x10E10]  }
0x9d: {  	v11 =	vld [tilespmem:s2+$0xCE20]  }
0x9e: {  	v51 =	vld [tilespmem:s2+$0x10E20]  }
0x9f: {  	v12 =	vld [tilespmem:s2+$0xCE30]  }
0xa0: {  	v52 =	vld [tilespmem:s2+$0x10E30]  }
0xa1: {  	v54 =	vld [tilespmem:s2+$0xCE40]  }
0xa2: {  	v55 =	vld [tilespmem:s2+$0x10E40];
	v0 =	vadd.f32 v2, v0  }
0xa3: {  	v56 =	vld [tilespmem:s2+$0xCE50];
	[tilespmem:s3+$0x18E40] =	vst v4;
	v1 =	vadd.f32 v3, v1  }
0xa4: {  	v57 =	vld [tilespmem:s2+$0x10E50];
	[tilespmem:s3+$0x18E50] =	vst v0;
	v5 =	vadd.f32 v6, v5  }
0xa5: {  	v58 =	vld [tilespmem:s2+$0xCE60];
	v7 =	vadd.f32 v8, v7;
	[tilespmem:s3+$0x18E60] =	vst v1  }
0xa6: {  	v59 =	vld [tilespmem:s2+$0x10E60];
	v53 =	vadd.f32 v10, v9;
	[tilespmem:s2+$0x18E70] =	vst v5  }
0xa7: {  	v6 =	vadd.f32 v51, v11;
	[tilespmem:s2+$0x18E00] =	vst v7  }
0xa8: {  	s30 =	sadd.s32 $0x1, s30;
	v60 =	vadd.f32 v52, v12;
	[tilespmem:s2+$0x18E10] =	vst v53  }
0xa9: {  	p1 =	sne.s32 s30, $0x27;
	v61 =	vadd.f32 v55, v54;
	[tilespmem:s2+$0x18E20] =	vst v6  }
.Ltmp4:
0xaa: {  	s10 =	sadd.s32 s6, s31;
	v62 =	vadd.f32 v57, v56;
	[tilespmem:s2+$0x18E30] =	vst v60;
	(pc) =	sbr.rel @p1 .LBB2_2-.Ltmp4, $4  }
0xab: {  	v63 =	vadd.f32 v59, v58;
	s3 =	sshll.u32 s10, $0xB;
	[tilespmem:s2+$0x18E40] =	vst v61  }
0xac: {  	s3 =	sand.u32 $0x1FFFF800, s3;
	[tilespmem:s2+$0x18E50] =	vst v62  }
0xad: {  	[tilespmem:s2+$0x18E60] =	vst v63;
	s31 =	sadd.s32 s4, s3  }
0xae: {  	[hbm4b:s31+s5] =	stream.linear.scatter [tilespmem:s23], [sflag:$0x4], $0x4000, $0x38;
	[tilespmem:$0x1CF00] =	vst v63  }
0xaf: {  	_ =	swait.ge [sflag:s24], $0x4000  }
.Ltmp5:
0xb0: {  	[sflag:s24] =	ssyncset.done $0x0;
	(pc) =	sbr.rel @p0 .LBB2_11-.Ltmp5, $4  }
0xb1: {  	[sflag:s24] =	ssyncadd.s32 $0xFFFFC000  }
0xb2: {  	_ =	swait.ge [sflag:s25], $0x4000  }
0xb3: {  	[sflag:s25] =	ssyncset.done $0x0  }
0xb4: {  	[sflag:s25] =	ssyncadd.s32 $0xFFFFC000  }
0xb5: {  	s2 =	simm.s32 $0x0;
	s3 =	rddreg [dreg:$0x6]  }
0xb6: {  	[tilespmem:s26], [sflag:$0x5] =	stream.linear.gather [hbm4b:s3+s2], $0x80, $0x38;
	[tilespmem:$0x1CF00] =	vst v63  }
0xb7: {  	_ =	swait.ge [sflag:s13], $0x80  }
0xb8: {  	[sflag:s13] =	ssyncset.done $0x0  }
0xb9: {  	s31 =	rddreg [dreg:$0x7];
	[sflag:s13] =	ssyncadd.s32 $0xFFFFFF80  }
0xba: {  	[tilespmem:s28], [sflag:$0x5] =	stream.linear.gather [hbm4b:s31+s2], $0x80, $0x38;
	[tilespmem:$0x1CF00] =	vst v63  }
0xbb: {  	_ =	swait.ge [sflag:s13], $0x80  }
0xbc: {  	[sflag:s13] =	ssyncset.done $0x0  }
0xbd: {  	[sflag:s13] =	ssyncadd.s32 $0xFFFFFF80  }
0xbe: {  	[tilespmem:s16], [sflag:$0x1] =	stream.indirect.gather [hbm4b:s0+s15], $0x80, s26, s15, $0xb8;
	[tilespmem:$0x1CF00] =	vst v63  }
0xbf: {  	_ = 	snop  }
0xc0: {  	[tilespmem:s17], [sflag:$0x1] =	stream.indirect.gather [hbm4b:s1+s15], $0x80, s28, s15, $0xb8;
	[tilespmem:$0x1CF00] =	vst v63  }
0xc1: {  	_ =	swait.ge [sflag:s20], $0x4000  }
0xc2: {  	[sflag:s20] =	ssyncset.done $0x0  }
0xc3: {  	[sflag:s20] =	ssyncadd.s32 $0xFFFFC000  }
0xc4: {  	_ =	swait.ge [sflag:s20], $0x4000  }
0xc5: {  	[sflag:s20] =	ssyncset.done $0x0  }
0xc6: {  	s3 =	simm.s32 $0x0;
	[sflag:s20] =	ssyncadd.s32 $0xFFFFC000  }
0xc7: {  	v0 =	vld [tilespmem:s3+$0x4E70]  }
0xc8: {  	v1 =	vld [tilespmem:s3+$0x8E70]  }
0xc9: {  	v2 =	vld [tilespmem:s3+$0x4E00]  }
0xca: {  	v3 =	vld [tilespmem:s3+$0x8E00]  }
0xcb: {  	v4 =	vld [tilespmem:s3+$0x4E10]  }
0xcc: {  	v5 =	vld [tilespmem:s3+$0x8E10]  }
0xcd: {  	v6 =	vld [tilespmem:s3+$0x4E20]  }
0xce: {  	v7 =	vld [tilespmem:s3+$0x4E30]  }
0xcf: {  	v0 =	vadd.f32 v1, v0;
	v1 =	vld [tilespmem:s3+$0x8E20]  }
0xd0: {  	v2 =	vadd.f32 v3, v2;
	v3 =	vld [tilespmem:s3+$0x8E30]  }
0xd1: {  	v8 =	vld [tilespmem:s3+$0x8E40]  }
0xd2: {  	[tilespmem:s3+$0x14E70] =	vst v0;
	v0 =	vadd.f32 v5, v4;
	v4 =	vld [tilespmem:s3+$0x4E40]  }
0xd3: {  	[tilespmem:s3+$0x14E00] =	vst v2;
	v2 =	vld [tilespmem:s3+$0x8E50]  }
0xd4: {  	[tilespmem:s3+$0x14E10] =	vst v0;
	v0 =	vld [tilespmem:s3+$0x4E50];
	v1 =	vadd.f32 v1, v6  }
0xd5: {  	v6 =	vadd.f32 v3, v7;
	v3 =	vld [tilespmem:s3+$0x8E60]  }
0xd6: {  	s2 =	simm.s32 $0x80;
	[tilespmem:s3+$0x14E20] =	vst v1;
	v1 =	vld [tilespmem:s3+$0x4E60]  }
0xd7: {  	s9 =	simm.s32 $0x400;
	v5 =	vld [tilespmem:s2+$0x4E70];
	[tilespmem:s3+$0x14E30] =	vst v6;
	v4 =	vadd.f32 v8, v4  }
.LBB2_9:
0xd8: {  	p1 =	sne.s32 s9, $0xFE00;
	v6 =	vld [tilespmem:s2+$0x8E70]  }
0xd9: {  	v7 =	vld [tilespmem:s2+$0x4E00];
	[tilespmem:s3+$0x14E40] =	vst v4;
	v0 =	vadd.f32 v2, v0  }
0xda: {  	v2 =	vld [tilespmem:s2+$0x8E00]  }
0xdb: {  	v4 =	vld [tilespmem:s2+$0x4E10];
	[tilespmem:s3+$0x14E50] =	vst v0;
	v0 =	vadd.f32 v3, v1  }
0xdc: {  	v1 =	vld [tilespmem:s2+$0x8E10]  }
0xdd: {  	v3 =	vld [tilespmem:s2+$0x4E20];
	v5 =	vadd.f32 v6, v5;
	[tilespmem:s3+$0x14E60] =	vst v0;
	s3 =	smov.u32 s2  }
0xde: {  	v0 =	vld [tilespmem:s3+$0x8E20]  }
0xdf: {  	v2 =	vadd.f32 v2, v7;
	v6 =	vld [tilespmem:s3+$0x4E30];
	[tilespmem:s3+$0x14E70] =	vst v5  }
0xe0: {  	v5 =	vld [tilespmem:s3+$0x8E30]  }
0xe1: {  	[tilespmem:s3+$0x14E00] =	vst v2;
	v1 =	vadd.f32 v1, v4;
	v4 =	vld [tilespmem:s3+$0x4E40]  }
0xe2: {  	v7 =	vld [tilespmem:s3+$0x8E40]  }
.Ltmp6:
0xe3: {  	[tilespmem:s3+$0x14E10] =	vst v1;
	v1 =	vadd.f32 v0, v3;
	v0 =	vld [tilespmem:s3+$0x4E50];
	(pc) =	sbr.rel @p1 .LBB2_9-.Ltmp6, $4  }
0xe4: {  	v2 =	vld [tilespmem:s3+$0x8E50]  }
0xe5: {  	[tilespmem:s3+$0x14E20] =	vst v1;
	v6 =	vadd.f32 v5, v6;
	v1 =	vld [tilespmem:s3+$0x4E60]  }
0xe6: {  	s2 =	sshra.s32 s9, $0x2;
	v3 =	vld [tilespmem:s3+$0x8E60]  }
0xe7: {  	s9 =	sadd.s32 $0x200, s9;
	v5 =	vld [tilespmem:s2+$0x4E70];
	[tilespmem:s3+$0x14E30] =	vst v6;
	v4 =	vadd.f32 v7, v4  }
0xe8: {  	v6 =	vld [tilespmem:s2+$0x8E70]  }
0xe9: {  	v7 =	vld [tilespmem:s2+$0x4E00]  }
0xea: {  	v8 =	vld [tilespmem:s2+$0x8E00]  }
0xeb: {  	v9 =	vld [tilespmem:s2+$0x4E10]  }
0xec: {  	v10 =	vld [tilespmem:s2+$0x8E10]  }
0xed: {  	v11 =	vld [tilespmem:s2+$0x4E20]  }
0xee: {  	v51 =	vld [tilespmem:s2+$0x8E20]  }
0xef: {  	v12 =	vld [tilespmem:s2+$0x4E30]  }
0xf0: {  	v52 =	vld [tilespmem:s2+$0x8E30]  }
0xf1: {  	v54 =	vld [tilespmem:s2+$0x4E40]  }
0xf2: {  	v55 =	vld [tilespmem:s2+$0x8E40];
	v0 =	vadd.f32 v2, v0  }
0xf3: {  	v56 =	vld [tilespmem:s2+$0x4E50];
	[tilespmem:s3+$0x14E40] =	vst v4;
	v1 =	vadd.f32 v3, v1  }
0xf4: {  	v57 =	vld [tilespmem:s2+$0x8E50];
	[tilespmem:s3+$0x14E50] =	vst v0;
	v5 =	vadd.f32 v6, v5  }
0xf5: {  	v58 =	vld [tilespmem:s2+$0x4E60];
	v7 =	vadd.f32 v8, v7;
	[tilespmem:s3+$0x14E60] =	vst v1  }
0xf6: {  	v59 =	vld [tilespmem:s2+$0x8E60];
	v53 =	vadd.f32 v10, v9;
	[tilespmem:s2+$0x14E70] =	vst v5  }
0xf7: {  	v6 =	vadd.f32 v51, v11;
	[tilespmem:s2+$0x14E00] =	vst v7  }
0xf8: {  	v60 =	vadd.f32 v52, v12;
	[tilespmem:s2+$0x14E10] =	vst v53  }
0xf9: {  	v61 =	vadd.f32 v55, v54;
	[tilespmem:s2+$0x14E20] =	vst v6  }
0xfa: {  	v62 =	vadd.f32 v57, v56;
	[tilespmem:s2+$0x14E30] =	vst v60  }
0xfb: {  	v63 =	vadd.f32 v59, v58;
	[tilespmem:s2+$0x14E40] =	vst v61  }
0xfc: {  	[tilespmem:s2+$0x14E50] =	vst v62  }
.Ltmp7:
0xfd: {  	[tilespmem:s2+$0x14E60] =	vst v63;
	(pc) =	sbr.rel .LBB2_11-.Ltmp7, $4  }
0xfe: {  	[hbm4b:s11+s5] =	stream.linear.scatter [tilespmem:s21], [sflag:$0x5], $0x4000, $0x38;
	[tilespmem:$0x1CF00] =	vst v63  }
0xff: {  	_ =	swait.ge [sflag:s13], $0x4000  }
0x100: {  	[sflag:s13] =	ssyncset.done $0x0  }
0x101: {  	[sflag:s13] =	ssyncadd.s32 $0xFFFFC000  }
.LBB2_12:
0x102: {  	_ =	sfence.sel $0x180000  }
0x103: {  	[bflag:$0x0] =	sbarrier.arrive $0xFFFF  }
0x104: {  	_ =	strace $0x90000047  }
0x105: {  	s0 =	stileid.u32;
	[bflag:$0x2] =	sbarrier.arrive $0xFFFF  }
0x106: {  	p0 =	sne.s32 s0, $0x0;
	s0 =	rddreg [dreg:$0x5]  }
0x107: {  	s0 =	sadd.s32 @!p0 $0x100000, s0  }
0x108: {  	[sflag:s0] =	ssyncadd.tile.s32 @!p0 $0x1;
	_ =	shalt  }
.Lfunc_end2:
_tile_overlayer_lowered:
.L_overlay_start_2:
0x109: {  	(tag) =	ssettag $0x2  }
0x10a: {  	s0 =	rddreg [dreg:$0x0];
	s2 =	stileid.u32  }
0x10b: {  	s1 =	rddreg [dreg:$0x1];
	p0 =	sne.s32 s2, $0x0  }
0x10c: {  	s3 =	rddreg [dreg:$0x2];
	[bflag:$0x3] =	sbarrier.arrive $0xFFFF;
	s2 =	simm.s32 @!p0 $0x1C05  }
0x10d: {  	[timem:s3], [sflag:s2] =	dma.local @!p0 [hbm:s0], s1  }
0x10e: {  	s0 =	simm.s32 @!p0 $0x5  }
0x10f: {  	_ =	swait.ge @!p0 [sflag:s0], s1  }
0x110: {  	s1 =	ssub.s32 @!p0 $0x0, s1;
	[sflag:s0] =	ssyncset.done @!p0 $0x0  }
0x111: {  	[sflag:s0] =	ssyncadd.s32 @!p0 s1  }
0x112: {  	[bflag:$0x3] =	sbarrier.arrive $0xFFFF  }
0x113: {  	_ =	shalt  }

</sc_bundles>
